<compile_context>
chip_gen: v7x
topology: tpu7x:2x2x1
jax: 0.10.2.dev20260603
libtpu: 0.0.44.dev20260713+nightly
codegen_flags: <defaults>
</compile_context>

<pallas_src>
import functools

import jax
import jax.numpy as jnp
from jax import lax
from jax.experimental import pallas as pl
from jax.experimental.pallas import tpu as pltpu
from jax.experimental.pallas import tpu_sc as plsc

N_NODES = 10000
N_EDGES = 160000
IN_DIM = 128
HID = 16
OUT = 8
BATCH = 4

NW = 32
EPT = N_EDGES // NW
CHW = 125
CHP = 128
NJ = EPT // CHW
DUMMY = 10239
N_PAD = 10240
SLAB = N_PAD // 16
TN = 2000
F32 = jnp.float32


def _tc_project_body(x_ref, wa_ref, wb_ref, wn1_ref, eb1_ref, nb1_ref,
                     nw2_ref, nb2_ref, xa_ref, xb_ref, h_ref):
    vas, vbs, hhs = [], [], []
    for b in range(BATCH):
        xt = x_ref[b]
        vas.append(
            jnp.dot(xt, wa_ref[...], preferred_element_type=F32) + eb1_ref[...])
        vbs.append(jnp.dot(xt, wb_ref[...], preferred_element_type=F32))
        hm = jnp.maximum(
            jnp.dot(xt, wn1_ref[...], preferred_element_type=F32) + nb1_ref[...],
            0.0)
        hhs.append(
            jnp.dot(hm, nw2_ref[...], preferred_element_type=F32) + nb2_ref[...])
    xa_ref[...] = jnp.concatenate(vas, axis=1)
    xb_ref[...] = jnp.concatenate(vbs, axis=1)
    h_ref[...] = jnp.concatenate(hhs, axis=1)


def _tc_project(x, wa, wb, wn1, eb1, nb1, nw2, nb2):
    grid = (N_NODES // TN,)
    full = lambda *shape: pl.BlockSpec(shape, lambda n: (0,) * len(shape))
    return pl.pallas_call(
        _tc_project_body,
        grid=grid,
        in_specs=[
            pl.BlockSpec((BATCH, TN, IN_DIM), lambda n: (0, n, 0)),
            full(IN_DIM, HID), full(IN_DIM, HID), full(IN_DIM, HID),
            full(1, HID), full(1, HID), full(HID, OUT), full(1, OUT),
        ],
        out_specs=[
            pl.BlockSpec((TN, BATCH * HID), lambda n: (n, 0)),
            pl.BlockSpec((TN, BATCH * HID), lambda n: (n, 0)),
            pl.BlockSpec((TN, BATCH * OUT), lambda n: (n, 0)),
        ],
        out_shape=[
            jax.ShapeDtypeStruct((N_PAD, BATCH * HID), F32),
            jax.ShapeDtypeStruct((N_PAD, BATCH * HID), F32),
            jax.ShapeDtypeStruct((N_PAD, BATCH * OUT), F32),
        ],
    )(x, wa, wb, wn1, eb1, nb1, nw2, nb2)


WROW = BATCH * HID + 16


def _sc_edge_body(xa_hbm, xb_hbm, u_hbm, v_hbm, z_hbm,
                  msg_out,
                  idxu, idxv, a0, a1, b0, b1, r0, r1, acc,
                  sga0, sga1, sgb0, sgb1, ssu0, ssu1, ssv0, ssv1):
    cid = lax.axis_index("c")
    sid = lax.axis_index("s")
    wid = cid * 16 + sid
    base_rows = sid * SLAB

    gbufs = ((a0, b0, sga0, sgb0), (a1, b1, sga1, sgb1))
    sbufs = ((r0, ssu0, ssv0), (r1, ssu1, ssv1))

    pltpu.sync_copy(z_hbm, acc.at[pl.ds(base_rows, SLAB), :])

    def fill_body(i, c):
        r0[i, pl.ds(BATCH * HID, 16)] = jnp.full((16,), 1.0, F32)
        r1[i, pl.ds(BATCH * HID, 16)] = jnp.full((16,), 1.0, F32)
        return c

    lax.fori_loop(0, CHP, fill_body, 0)

    pltpu.sync_copy(u_hbm.at[wid], idxu)
    pltpu.sync_copy(v_hbm.at[wid], idxv)
    plsc.subcore_barrier()

    def issue_gather(j, slot):
        a, b, sa, sb = gbufs[slot]
        pltpu.async_copy(xa_hbm.at[idxu.at[j]], a, sa)
        pltpu.async_copy(xb_hbm.at[idxv.at[j]], b, sb)

    def wait_gather(j, slot):
        a, b, sa, sb = gbufs[slot]
        pltpu.make_async_copy(xa_hbm.at[idxu.at[j]], a, sa).wait()
        pltpu.make_async_copy(xb_hbm.at[idxv.at[j]], b, sb).wait()

    def issue_scatter(j, slot):
        r, su, sv = sbufs[slot]
        pltpu.async_copy(r, acc.at[idxu.at[j]], su, add=True)
        pltpu.async_copy(r, acc.at[idxv.at[j]], sv, add=True)

    def wait_scatter(j, slot):
        r, su, sv = sbufs[slot]
        pltpu.make_async_copy(r, acc.at[idxu.at[j]], su).wait()
        pltpu.make_async_copy(r, acc.at[idxv.at[j]], sv).wait()

    def compute(slot):
        a, b, _, _ = gbufs[slot]
        r, _, _ = sbufs[slot]

        def row_body(i, c):
            for k in range(BATCH):
                s = k * HID
                r[i, pl.ds(s, HID)] = jnp.maximum(
                    a[i, pl.ds(s, HID)] + b[i, pl.ds(s, HID)], 0.0)
            return c

        lax.fori_loop(0, CHP, row_body, 0)

    issue_gather(0, 0)

    def j2_body(j2, carry):
        for phase in range(2):
            j = j2 * 2 + phase
            wait_gather(j, phase)

            @pl.when(j + 1 < NJ)
            def _():
                issue_gather(j + 1, 1 - phase)

            @pl.when(j >= 2)
            def _():
                wait_scatter(j - 2, phase)

            compute(phase)
            issue_scatter(j, phase)
        return carry

    lax.fori_loop(0, NJ // 2, j2_body, 0)
    wait_scatter(NJ - 2, 0)
    wait_scatter(NJ - 1, 1)
    plsc.subcore_barrier()

    pltpu.sync_copy(acc.at[pl.ds(base_rows, SLAB), :],
                    msg_out.at[cid, pl.ds(base_rows, SLAB), :])


@functools.cache
def _sc_edge():
    return functools.partial(
        pl.kernel,
        out_type=jax.ShapeDtypeStruct((2, N_PAD, WROW), F32),
        mesh=plsc.VectorSubcoreMesh(core_axis_name="c", subcore_axis_name="s",
                                    num_cores=2, num_subcores=16),
        compiler_params=pltpu.CompilerParams(use_tc_tiling_on_sc=False),
        scratch_types=[
            pltpu.VMEM((NJ, CHP), jnp.int32),
            pltpu.VMEM((NJ, CHP), jnp.int32),
            pltpu.VMEM((CHP, BATCH * HID), F32),
            pltpu.VMEM((CHP, BATCH * HID), F32),
            pltpu.VMEM((CHP, BATCH * HID), F32),
            pltpu.VMEM((CHP, BATCH * HID), F32),
            pltpu.VMEM((CHP, WROW), F32),
            pltpu.VMEM((CHP, WROW), F32),
            pltpu.VMEM_SHARED((N_PAD, WROW), F32),
            pltpu.SemaphoreType.DMA,
            pltpu.SemaphoreType.DMA,
            pltpu.SemaphoreType.DMA,
            pltpu.SemaphoreType.DMA,
            pltpu.SemaphoreType.DMA,
            pltpu.SemaphoreType.DMA,
            pltpu.SemaphoreType.DMA,
            pltpu.SemaphoreType.DMA,
        ],
    )(_sc_edge_body)


def _tc_recon_body(h_ref, msg_ref, ew2_ref, eb2_ref, dw_ref, db_ref,
                   out_ref):
    m2 = jnp.dot(ew2_ref[...], dw_ref[...], preferred_element_type=F32)
    c2 = jnp.dot(eb2_ref[...], dw_ref[...], preferred_element_type=F32)
    m = msg_ref[0] + msg_ref[1]
    dg = m[:, BATCH * HID:BATCH * HID + 1]
    degterm = jnp.dot(dg, c2, preferred_element_type=F32)
    for b in range(BATCH):
        mb = m[:, b * HID:(b + 1) * HID]
        hb = h_ref[:, b * OUT:(b + 1) * OUT]
        ob = (jnp.dot(hb, dw_ref[...], preferred_element_type=F32)
              + jnp.dot(mb, m2, preferred_element_type=F32)
              + degterm + db_ref[...])
        out_ref[b] = ob


def _tc_recon(h, msg, ew2, eb2, dw, db):
    grid = (N_NODES // TN,)
    full = lambda *shape: pl.BlockSpec(shape, lambda n: (0,) * len(shape))
    return pl.pallas_call(
        _tc_recon_body,
        grid=grid,
        in_specs=[
            pl.BlockSpec((TN, BATCH * OUT), lambda n: (n, 0)),
            pl.BlockSpec((2, TN, WROW), lambda n: (0, n, 0)),
            full(HID, OUT), full(1, OUT), full(OUT, IN_DIM), full(1, IN_DIM),
        ],
        out_specs=pl.BlockSpec((BATCH, TN, IN_DIM), lambda n: (0, n, 0)),
        out_shape=jax.ShapeDtypeStruct((BATCH, N_NODES, IN_DIM), F32),
    )(h, msg, ew2, eb2, dw, db)


def kernel(x, edges, ew1, eb1, ew2, eb2, nw1, nb1, nw2, nb2, dw, db):
    edges = edges.astype(jnp.int32)
    u = edges[:, 0]
    v = edges[:, 1]
    wa = ew1[:IN_DIM]
    wb = ew1[IN_DIM:]

    xa, xb, h = _tc_project(
        x, wa, wb, nw1,
        eb1.reshape(1, HID), nb1.reshape(1, HID), nw2, nb2.reshape(1, OUT))

    pad = jnp.full((NW, NJ, CHP - CHW), DUMMY, jnp.int32)
    u3 = jnp.concatenate([u.reshape(NW, NJ, CHW), pad], axis=-1)
    v3 = jnp.concatenate([v.reshape(NW, NJ, CHW), pad], axis=-1)
    z = jnp.zeros((SLAB, WROW), F32)

    msg = _sc_edge()(xa, xb, u3, v3, z)

    recon = _tc_recon(h, msg, ew2, eb2.reshape(1, OUT), dw,
                      db.reshape(1, IN_DIM))
    return recon

# --- scband reference (transcript-rebuilt; emitter-appended) ---
"""Pipeline reference for scband-neural-sheaf-69217692942795 (READ-ONLY COPY).

The authoritative reference and input builder live on the scoring server;
editing this copy changes nothing except your own understanding.
"""

import jax, jax.numpy as jnp
import numpy as np

N_NODES = 10000
N_EDGES = 160000
IN_DIM = 128
HID = 16
OUT = 8
BATCH = 4


def setup_inputs(seed: int = 0) -> dict:
    key = jax.random.key(seed)
    ks = jax.random.split(key, 16)
    x = jax.random.normal(ks[0], (BATCH, N_NODES, IN_DIM), dtype=jnp.float32)
    edges = jax.random.randint(ks[1], (N_EDGES, 2), 0, N_NODES, dtype=jnp.int64)
    def lin(k, fan_in, fan_out):
        kw, kb = jax.random.split(k)
        bound = 1.0 / np.sqrt(fan_in)
        W = jax.random.uniform(kw, (fan_in, fan_out), jnp.float32, -bound, bound)
        b = jax.random.uniform(kb, (fan_out,), jnp.float32, -bound, bound)
        return W, b
    ew1, eb1 = lin(ks[2], 2 * IN_DIM, HID)
    ew2, eb2 = lin(ks[3], HID, OUT)
    nw1, nb1 = lin(ks[4], IN_DIM, HID)
    nw2, nb2 = lin(ks[5], HID, OUT)
    dw, db = lin(ks[6], OUT, IN_DIM)
    return {"x": x, "edges": edges, "ew1": ew1, "eb1": eb1, "ew2": ew2, "eb2": eb2,
            "nw1": nw1, "nb1": nb1, "nw2": nw2, "nb2": nb2, "dw": dw, "db": db}


def reference(x, edges, ew1, eb1, ew2, eb2, nw1, nb1, nw2, nb2, dw, db):
    # node_mlp
    h = jnp.maximum(x @ nw1 + nb1, 0.0) @ nw2 + nb2  # [B, N, OUT]
    u = edges[:, 0]
    v = edges[:, 1]
    # vectorized edge loop: gather endpoint features, edge MLP, scatter-add to both endpoints
    edge_input = jnp.concatenate([x[:, u], x[:, v]], axis=-1)  # [B, E, 2*IN_DIM]
    edge_emb = jnp.maximum(edge_input @ ew1 + eb1, 0.0) @ ew2 + eb2  # [B, E, OUT]
    messages = jnp.zeros_like(h)
    messages = messages.at[:, u].add(edge_emb)
    messages = messages.at[:, v].add(edge_emb)
    h = h + messages
    recon = h @ dw + db  # [B, N, IN_DIM]
    # torch .squeeze(-1) is a no-op since IN_DIM != 1
    return recon

if __name__ == "__main__":
    import jax
    _d = setup_inputs()
    print(jax.jit(kernel)(*tuple(_d.values())))

</pallas_src>

<mosaic_0001>
#map = affine_map<(d0, d1) -> (0, 0)>
#map1 = affine_map<(d0, d1) -> (0, 0, 0)>
module attributes {stable_mosaic.version = 14 : i64} {
  func.func @_sc_edge_body(%arg0: i32, %arg1: i32, %arg2: memref<10240x64xf32, #tpu.memory_space<hbm>>, %arg3: memref<10240x64xf32, #tpu.memory_space<hbm>>, %arg4: memref<32x40x128xi32, #tpu.memory_space<hbm>>, %arg5: memref<32x40x128xi32, #tpu.memory_space<hbm>>, %arg6: memref<640x80xf32, #tpu.memory_space<hbm>>, %arg7: memref<2x10240x80xf32, #tpu.memory_space<hbm>>, %arg8: memref<40x128xi32, #tpu.memory_space<vmem>>, %arg9: memref<40x128xi32, #tpu.memory_space<vmem>>, %arg10: memref<128x64xf32, #tpu.memory_space<vmem>>, %arg11: memref<128x64xf32, #tpu.memory_space<vmem>>, %arg12: memref<128x64xf32, #tpu.memory_space<vmem>>, %arg13: memref<128x64xf32, #tpu.memory_space<vmem>>, %arg14: memref<128x80xf32, #tpu.memory_space<vmem>>, %arg15: memref<128x80xf32, #tpu.memory_space<vmem>>, %arg16: memref<10240x80xf32, #tpu.memory_space<vmem_shared>>, %arg17: memref<!tpu.dma_semaphore, #tpu.memory_space<semaphore_mem>>, %arg18: memref<!tpu.dma_semaphore, #tpu.memory_space<semaphore_mem>>, %arg19: memref<!tpu.dma_semaphore, #tpu.memory_space<semaphore_mem>>, %arg20: memref<!tpu.dma_semaphore, #tpu.memory_space<semaphore_mem>>, %arg21: memref<!tpu.dma_semaphore, #tpu.memory_space<semaphore_mem>>, %arg22: memref<!tpu.dma_semaphore, #tpu.memory_space<semaphore_mem>>, %arg23: memref<!tpu.dma_semaphore, #tpu.memory_space<semaphore_mem>>, %arg24: memref<!tpu.dma_semaphore, #tpu.memory_space<semaphore_mem>>) attributes {dimension_semantics = [#tpu.dimension_semantics<core_parallel>, #tpu.dimension_semantics<subcore_parallel>], iteration_bounds = array<i64: 2, 16>, scalar_prefetch = 0 : i64, scratch_operands = 17 : i64, tpu.core_type = #tpu.core_type<sc_vector_subcore>, window_params = [{transform_indices = #map}, {transform_indices = #map}, {transform_indices = #map1}, {transform_indices = #map1}, {transform_indices = #map}, {transform_indices = #map1}]} {
    %mul3A = arith.constant 16 : i32
    %mul3A_0 = arith.muli %arg0, %mul3A : i32
    %add3A = arith.addi %mul3A_0, %arg1 : i32
    %mul3A_1 = arith.constant 640 : i32
    %mul3A_2 = arith.muli %arg1, %mul3A_1 : i32
    "tpu.region"() ({
      %run_scoped3A = tpu.sem_alloc : memref<!tpu.dma_semaphore, #tpu.memory_space<semaphore_mem>>
      %dma_start3A_55 = arith.constant 0 : i32
      %dma_start3A_56 = tpu.memref_slice %arg16[%mul3A_2, %dma_start3A_55] : memref<10240x80xf32, #tpu.memory_space<vmem_shared>> -> memref<640x80xf32, #tpu.memory_space<vmem_shared>>
      tpu.enqueue_dma source(%arg6 : memref<640x80xf32, #tpu.memory_space<hbm>>) target(%dma_start3A_56 : memref<640x80xf32, #tpu.memory_space<vmem_shared>>) target_semaphore(%run_scoped3A : memref<!tpu.dma_semaphore, #tpu.memory_space<semaphore_mem>>)
      %dma_wait3A_57 = arith.constant 0 : i32
      %dma_wait3A_58 = tpu.memref_slice %arg16[%mul3A_2, %dma_wait3A_57] : memref<10240x80xf32, #tpu.memory_space<vmem_shared>> -> memref<640x80xf32, #tpu.memory_space<vmem_shared>>
      tpu.wait_dma2 semaphore(%run_scoped3A : memref<!tpu.dma_semaphore, #tpu.memory_space<semaphore_mem>>) src(%arg6 : memref<640x80xf32, #tpu.memory_space<hbm>>) dst(%dma_wait3A_58 : memref<640x80xf32, #tpu.memory_space<vmem_shared>>)
      tpu.yield
    }) : () -> ()
    %scan3A = arith.constant 0 : i32
    %scan3A_3 = arith.constant 0 : i32
    %scan3A_4 = arith.constant 128 : i32
    %scan3A_5 = arith.addi %scan3A_3, %scan3A_4 : i32
    %scan3A_6 = arith.constant 1 : i32
    scf.for %scan3A_55 = %scan3A_3 to %scan3A_5 step %scan3A_6  : i32 {
      %broadcast_in_dim3A = arith.constant 1.000000e+00 : f32
      %broadcast_in_dim3A_56 = vector.broadcast %broadcast_in_dim3A : f32 to vector<16xf32>
      %swap3A = arith.index_cast %scan3A_55 : i32 to index
      %swap3A_57 = arith.constant 64 : index
      %swap3A_58 = tpu.vector_load %arg14[%swap3A, %swap3A_57] {strides = array<i32>} : memref<128x80xf32, #tpu.memory_space<vmem>>, vector<1x16xf32>,
      %swap3A_59 = vector.shape_cast %swap3A_58 : vector<1x16xf32> to vector<16xf32>
      %swap3A_60 = vector.shape_cast %broadcast_in_dim3A_56 : vector<16xf32> to vector<1x16xf32>
      tpu.vector_store %arg14[%swap3A, %swap3A_57], %swap3A_60 {strides = array<i32>} : memref<128x80xf32, #tpu.memory_space<vmem>>, vector<1x16xf32>,
      %broadcast_in_dim3A_61 = arith.constant 1.000000e+00 : f32
      %broadcast_in_dim3A_62 = vector.broadcast %broadcast_in_dim3A_61 : f32 to vector<16xf32>
      %swap3A_63 = arith.index_cast %scan3A_55 : i32 to index
      %swap3A_64 = arith.constant 64 : index
      %swap3A_65 = tpu.vector_load %arg15[%swap3A_63, %swap3A_64] {strides = array<i32>} : memref<128x80xf32, #tpu.memory_space<vmem>>, vector<1x16xf32>,
      %swap3A_66 = vector.shape_cast %swap3A_65 : vector<1x16xf32> to vector<16xf32>
      %swap3A_67 = vector.shape_cast %broadcast_in_dim3A_62 : vector<16xf32> to vector<1x16xf32>
      tpu.vector_store %arg15[%swap3A_63, %swap3A_64], %swap3A_67 {strides = array<i32>} : memref<128x80xf32, #tpu.memory_space<vmem>>, vector<1x16xf32>,
    }
    %scan3A_7 = arith.constant 128 : i32
    "tpu.region"() ({
      %run_scoped3A = tpu.sem_alloc : memref<!tpu.dma_semaphore, #tpu.memory_space<semaphore_mem>>
      %dma_start3A_55 = arith.constant 0 : i32
      %dma_start3A_56 = arith.constant 0 : i32
      %dma_start3A_57 = tpu.memref_slice %arg4[%add3A, %dma_start3A_55, %dma_start3A_56] : memref<32x40x128xi32, #tpu.memory_space<hbm>> -> memref<1x40x128xi32, #tpu.memory_space<hbm>>
      %dma_start3A_58 = tpu.memref_squeeze %dma_start3A_57 : memref<1x40x128xi32, #tpu.memory_space<hbm>> -> memref<40x128xi32, #tpu.memory_space<hbm>>
      %dma_start3A_59 = arith.constant 0 : i32
      %dma_start3A_60 = arith.constant 0 : i32
      %dma_start3A_61 = tpu.memref_slice %arg4[%add3A, %dma_start3A_59, %dma_start3A_60] : memref<32x40x128xi32, #tpu.memory_space<hbm>> -> memref<1x40x128xi32, #tpu.memory_space<hbm>>
      %dma_start3A_62 = tpu.memref_squeeze %dma_start3A_61 : memref<1x40x128xi32, #tpu.memory_space<hbm>> -> memref<40x128xi32, #tpu.memory_space<hbm>>
      tpu.enqueue_dma source(%dma_start3A_62 : memref<40x128xi32, #tpu.memory_space<hbm>>) target(%arg8 : memref<40x128xi32, #tpu.memory_space<vmem>>) target_semaphore(%run_scoped3A : memref<!tpu.dma_semaphore, #tpu.memory_space<semaphore_mem>>)
      %dma_wait3A_63 = arith.constant 0 : i32
      %dma_wait3A_64 = arith.constant 0 : i32
      %dma_wait3A_65 = tpu.memref_slice %arg4[%add3A, %dma_wait3A_63, %dma_wait3A_64] : memref<32x40x128xi32, #tpu.memory_space<hbm>> -> memref<1x40x128xi32, #tpu.memory_space<hbm>>
      %dma_wait3A_66 = tpu.memref_squeeze %dma_wait3A_65 : memref<1x40x128xi32, #tpu.memory_space<hbm>> -> memref<40x128xi32, #tpu.memory_space<hbm>>
      %dma_wait3A_67 = arith.constant 0 : i32
      %dma_wait3A_68 = arith.constant 0 : i32
      %dma_wait3A_69 = tpu.memref_slice %arg4[%add3A, %dma_wait3A_67, %dma_wait3A_68] : memref<32x40x128xi32, #tpu.memory_space<hbm>> -> memref<1x40x128xi32, #tpu.memory_space<hbm>>
      %dma_wait3A_70 = tpu.memref_squeeze %dma_wait3A_69 : memref<1x40x128xi32, #tpu.memory_space<hbm>> -> memref<40x128xi32, #tpu.memory_space<hbm>>
      tpu.wait_dma2 semaphore(%run_scoped3A : memref<!tpu.dma_semaphore, #tpu.memory_space<semaphore_mem>>) src(%dma_wait3A_70 : memref<40x128xi32, #tpu.memory_space<hbm>>) dst(%arg8 : memref<40x128xi32, #tpu.memory_space<vmem>>)
      tpu.yield
    }) : () -> ()
    "tpu.region"() ({
      %run_scoped3A = tpu.sem_alloc : memref<!tpu.dma_semaphore, #tpu.memory_space<semaphore_mem>>
      %dma_start3A_55 = arith.constant 0 : i32
      %dma_start3A_56 = arith.constant 0 : i32
      %dma_start3A_57 = tpu.memref_slice %arg5[%add3A, %dma_start3A_55, %dma_start3A_56] : memref<32x40x128xi32, #tpu.memory_space<hbm>> -> memref<1x40x128xi32, #tpu.memory_space<hbm>>
      %dma_start3A_58 = tpu.memref_squeeze %dma_start3A_57 : memref<1x40x128xi32, #tpu.memory_space<hbm>> -> memref<40x128xi32, #tpu.memory_space<hbm>>
      %dma_start3A_59 = arith.constant 0 : i32
      %dma_start3A_60 = arith.constant 0 : i32
      %dma_start3A_61 = tpu.memref_slice %arg5[%add3A, %dma_start3A_59, %dma_start3A_60] : memref<32x40x128xi32, #tpu.memory_space<hbm>> -> memref<1x40x128xi32, #tpu.memory_space<hbm>>
      %dma_start3A_62 = tpu.memref_squeeze %dma_start3A_61 : memref<1x40x128xi32, #tpu.memory_space<hbm>> -> memref<40x128xi32, #tpu.memory_space<hbm>>
      tpu.enqueue_dma source(%dma_start3A_62 : memref<40x128xi32, #tpu.memory_space<hbm>>) target(%arg9 : memref<40x128xi32, #tpu.memory_space<vmem>>) target_semaphore(%run_scoped3A : memref<!tpu.dma_semaphore, #tpu.memory_space<semaphore_mem>>)
      %dma_wait3A_63 = arith.constant 0 : i32
      %dma_wait3A_64 = arith.constant 0 : i32
      %dma_wait3A_65 = tpu.memref_slice %arg5[%add3A, %dma_wait3A_63, %dma_wait3A_64] : memref<32x40x128xi32, #tpu.memory_space<hbm>> -> memref<1x40x128xi32, #tpu.memory_space<hbm>>
      %dma_wait3A_66 = tpu.memref_squeeze %dma_wait3A_65 : memref<1x40x128xi32, #tpu.memory_space<hbm>> -> memref<40x128xi32, #tpu.memory_space<hbm>>
      %dma_wait3A_67 = arith.constant 0 : i32
      %dma_wait3A_68 = arith.constant 0 : i32
      %dma_wait3A_69 = tpu.memref_slice %arg5[%add3A, %dma_wait3A_67, %dma_wait3A_68] : memref<32x40x128xi32, #tpu.memory_space<hbm>> -> memref<1x40x128xi32, #tpu.memory_space<hbm>>
      %dma_wait3A_70 = tpu.memref_squeeze %dma_wait3A_69 : memref<1x40x128xi32, #tpu.memory_space<hbm>> -> memref<40x128xi32, #tpu.memory_space<hbm>>
      tpu.wait_dma2 semaphore(%run_scoped3A : memref<!tpu.dma_semaphore, #tpu.memory_space<semaphore_mem>>) src(%dma_wait3A_70 : memref<40x128xi32, #tpu.memory_space<hbm>>) dst(%arg9 : memref<40x128xi32, #tpu.memory_space<vmem>>)
      tpu.yield
    }) : () -> ()
    %barrier3A = arith.constant 0 : index
    tpu.barrier barrier_id(%barrier3A)
    %dma_start3A = arith.constant 0 : i32
    %dma_start3A_8 = arith.constant 0 : i32
    %dma_start3A_9 = tpu.memref_slice %arg8[%dma_start3A, %dma_start3A_8] : memref<40x128xi32, #tpu.memory_space<vmem>> -> memref<1x128xi32, #tpu.memory_space<vmem>>
    %dma_start3A_10 = tpu.memref_squeeze %dma_start3A_9 : memref<1x128xi32, #tpu.memory_space<vmem>> -> memref<128xi32, #tpu.memory_space<vmem>>
    %dma_start3A_11 = arith.constant 0 : i32
    %dma_start3A_12 = arith.constant 0 : i32
    %dma_start3A_13 = tpu.memref_slice %arg2[%dma_start3A_11, %dma_start3A_12] : memref<10240x64xf32, #tpu.memory_space<hbm>> -> memref<10240x64xf32, #tpu.memory_space<hbm>>
    tpu.enqueue_indirect_dma source(%dma_start3A_13 : memref<10240x64xf32, #tpu.memory_space<hbm>>) target(%arg10 : memref<128x64xf32, #tpu.memory_space<vmem>>) offsets(%dma_start3A_10 : memref<128xi32, #tpu.memory_space<vmem>>) semaphore(%arg17 : memref<!tpu.dma_semaphore, #tpu.memory_space<semaphore_mem>>)
    %dma_start3A_14 = arith.constant 0 : i32
    %dma_start3A_15 = arith.constant 0 : i32
    %dma_start3A_16 = tpu.memref_slice %arg9[%dma_start3A_14, %dma_start3A_15] : memref<40x128xi32, #tpu.memory_space<vmem>> -> memref<1x128xi32, #tpu.memory_space<vmem>>
    %dma_start3A_17 = tpu.memref_squeeze %dma_start3A_16 : memref<1x128xi32, #tpu.memory_space<vmem>> -> memref<128xi32, #tpu.memory_space<vmem>>
    %dma_start3A_18 = arith.constant 0 : i32
    %dma_start3A_19 = arith.constant 0 : i32
    %dma_start3A_20 = tpu.memref_slice %arg3[%dma_start3A_18, %dma_start3A_19] : memref<10240x64xf32, #tpu.memory_space<hbm>> -> memref<10240x64xf32, #tpu.memory_space<hbm>>
    tpu.enqueue_indirect_dma source(%dma_start3A_20 : memref<10240x64xf32, #tpu.memory_space<hbm>>) target(%arg12 : memref<128x64xf32, #tpu.memory_space<vmem>>) offsets(%dma_start3A_17 : memref<128xi32, #tpu.memory_space<vmem>>) semaphore(%arg19 : memref<!tpu.dma_semaphore, #tpu.memory_space<semaphore_mem>>)
    %scan3A_21 = arith.constant 0 : i32
    %scan3A_22 = arith.constant 0 : i32
    %scan3A_23 = arith.constant 20 : i32
    %scan3A_24 = arith.addi %scan3A_22, %scan3A_23 : i32
    %scan3A_25 = arith.constant 1 : i32
    scf.for %scan3A_55 = %scan3A_22 to %scan3A_24 step %scan3A_25  : i32 {
      %mul3A_56 = arith.constant 2 : i32
      %mul3A_57 = arith.muli %scan3A_55, %mul3A_56 : i32
      %add3A_58 = arith.constant 0 : i32
      %add3A_59 = arith.addi %mul3A_57, %add3A_58 : i32
      %dma_wait3A_60 = arith.constant 0 : i32
      %dma_wait3A_61 = tpu.memref_slice %arg8[%add3A_59, %dma_wait3A_60] : memref<40x128xi32, #tpu.memory_space<vmem>> -> memref<1x128xi32, #tpu.memory_space<vmem>>
      %dma_wait3A_62 = tpu.memref_squeeze %dma_wait3A_61 : memref<1x128xi32, #tpu.memory_space<vmem>> -> memref<128xi32, #tpu.memory_space<vmem>>
      %dma_wait3A_63 = arith.constant 0 : i32
      %dma_wait3A_64 = arith.constant 0 : i32
      %dma_wait3A_65 = tpu.memref_slice %arg2[%dma_wait3A_63, %dma_wait3A_64] : memref<10240x64xf32, #tpu.memory_space<hbm>> -> memref<10240x64xf32, #tpu.memory_space<hbm>>
      tpu.wait_indirect_dma semaphore(%arg17 : memref<!tpu.dma_semaphore, #tpu.memory_space<semaphore_mem>>) src(%dma_wait3A_65 : memref<10240x64xf32, #tpu.memory_space<hbm>>) dst(%arg10 : memref<128x64xf32, #tpu.memory_space<vmem>>)
      %dma_wait3A_66 = arith.constant 0 : i32
      %dma_wait3A_67 = tpu.memref_slice %arg9[%add3A_59, %dma_wait3A_66] : memref<40x128xi32, #tpu.memory_space<vmem>> -> memref<1x128xi32, #tpu.memory_space<vmem>>
      %dma_wait3A_68 = tpu.memref_squeeze %dma_wait3A_67 : memref<1x128xi32, #tpu.memory_space<vmem>> -> memref<128xi32, #tpu.memory_space<vmem>>
      %dma_wait3A_69 = arith.constant 0 : i32
      %dma_wait3A_70 = arith.constant 0 : i32
      %dma_wait3A_71 = tpu.memref_slice %arg3[%dma_wait3A_69, %dma_wait3A_70] : memref<10240x64xf32, #tpu.memory_space<hbm>> -> memref<10240x64xf32, #tpu.memory_space<hbm>>
      tpu.wait_indirect_dma semaphore(%arg19 : memref<!tpu.dma_semaphore, #tpu.memory_space<semaphore_mem>>) src(%dma_wait3A_71 : memref<10240x64xf32, #tpu.memory_space<hbm>>) dst(%arg12 : memref<128x64xf32, #tpu.memory_space<vmem>>)
      %add3A_72 = arith.constant 1 : i32
      %add3A_73 = arith.addi %add3A_59, %add3A_72 : i32
      %lt3A = arith.constant 40 : i32
      %lt3A_74 = arith.cmpi slt, %add3A_73, %lt3A : i32
      %convert_element_type3A = arith.extui %lt3A_74 : i1 to i32
      %cond3A = arith.constant 0 : i32
      %cond3A_75 = arith.cmpi ne, %convert_element_type3A, %cond3A : i32
      scf.if %cond3A_75 {
        %add3A_144 = arith.constant 1 : i32
        %add3A_145 = arith.addi %add3A_59, %add3A_144 : i32
        %dma_start3A_146 = arith.constant 0 : i32
        %dma_start3A_147 = tpu.memref_slice %arg8[%add3A_145, %dma_start3A_146] : memref<40x128xi32, #tpu.memory_space<vmem>> -> memref<1x128xi32, #tpu.memory_space<vmem>>
        %dma_start3A_148 = tpu.memref_squeeze %dma_start3A_147 : memref<1x128xi32, #tpu.memory_space<vmem>> -> memref<128xi32, #tpu.memory_space<vmem>>
        %dma_start3A_149 = arith.constant 0 : i32
        %dma_start3A_150 = arith.constant 0 : i32
        %dma_start3A_151 = tpu.memref_slice %arg2[%dma_start3A_149, %dma_start3A_150] : memref<10240x64xf32, #tpu.memory_space<hbm>> -> memref<10240x64xf32, #tpu.memory_space<hbm>>
        tpu.enqueue_indirect_dma source(%dma_start3A_151 : memref<10240x64xf32, #tpu.memory_space<hbm>>) target(%arg11 : memref<128x64xf32, #tpu.memory_space<vmem>>) offsets(%dma_start3A_148 : memref<128xi32, #tpu.memory_space<vmem>>) semaphore(%arg18 : memref<!tpu.dma_semaphore, #tpu.memory_space<semaphore_mem>>)
        %dma_start3A_152 = arith.constant 0 : i32
        %dma_start3A_153 = tpu.memref_slice %arg9[%add3A_145, %dma_start3A_152] : memref<40x128xi32, #tpu.memory_space<vmem>> -> memref<1x128xi32, #tpu.memory_space<vmem>>
        %dma_start3A_154 = tpu.memref_squeeze %dma_start3A_153 : memref<1x128xi32, #tpu.memory_space<vmem>> -> memref<128xi32, #tpu.memory_space<vmem>>
        %dma_start3A_155 = arith.constant 0 : i32
        %dma_start3A_156 = arith.constant 0 : i32
        %dma_start3A_157 = tpu.memref_slice %arg3[%dma_start3A_155, %dma_start3A_156] : memref<10240x64xf32, #tpu.memory_space<hbm>> -> memref<10240x64xf32, #tpu.memory_space<hbm>>
        tpu.enqueue_indirect_dma source(%dma_start3A_157 : memref<10240x64xf32, #tpu.memory_space<hbm>>) target(%arg13 : memref<128x64xf32, #tpu.memory_space<vmem>>) offsets(%dma_start3A_154 : memref<128xi32, #tpu.memory_space<vmem>>) semaphore(%arg20 : memref<!tpu.dma_semaphore, #tpu.memory_space<semaphore_mem>>)
      } else {
      }
      %ge3A = arith.constant 2 : i32
      %ge3A_76 = arith.cmpi sge, %add3A_59, %ge3A : i32
      %convert_element_type3A_77 = arith.extui %ge3A_76 : i1 to i32
      %cond3A_78 = arith.constant 0 : i32
      %cond3A_79 = arith.cmpi ne, %convert_element_type3A_77, %cond3A_78 : i32
      scf.if %cond3A_79 {
        %sub3A = arith.constant 2 : i32
        %sub3A_144 = arith.subi %add3A_59, %sub3A : i32
        %dma_wait3A_145 = arith.constant 0 : i32
        %dma_wait3A_146 = tpu.memref_slice %arg8[%sub3A_144, %dma_wait3A_145] : memref<40x128xi32, #tpu.memory_space<vmem>> -> memref<1x128xi32, #tpu.memory_space<vmem>>
        %dma_wait3A_147 = tpu.memref_squeeze %dma_wait3A_146 : memref<1x128xi32, #tpu.memory_space<vmem>> -> memref<128xi32, #tpu.memory_space<vmem>>
        %dma_wait3A_148 = arith.constant 0 : i32
        %dma_wait3A_149 = arith.constant 0 : i32
        %dma_wait3A_150 = tpu.memref_slice %arg16[%dma_wait3A_148, %dma_wait3A_149] : memref<10240x80xf32, #tpu.memory_space<vmem_shared>> -> memref<10240x80xf32, #tpu.memory_space<vmem_shared>>
        tpu.wait_indirect_dma semaphore(%arg21 : memref<!tpu.dma_semaphore, #tpu.memory_space<semaphore_mem>>) src(%arg14 : memref<128x80xf32, #tpu.memory_space<vmem>>) dst(%dma_wait3A_150 : memref<10240x80xf32, #tpu.memory_space<vmem_shared>>)
        %dma_wait3A_151 = arith.constant 0 : i32
        %dma_wait3A_152 = tpu.memref_slice %arg9[%sub3A_144, %dma_wait3A_151] : memref<40x128xi32, #tpu.memory_space<vmem>> -> memref<1x128xi32, #tpu.memory_space<vmem>>
        %dma_wait3A_153 = tpu.memref_squeeze %dma_wait3A_152 : memref<1x128xi32, #tpu.memory_space<vmem>> -> memref<128xi32, #tpu.memory_space<vmem>>
        %dma_wait3A_154 = arith.constant 0 : i32
        %dma_wait3A_155 = arith.constant 0 : i32
        %dma_wait3A_156 = tpu.memref_slice %arg16[%dma_wait3A_154, %dma_wait3A_155] : memref<10240x80xf32, #tpu.memory_space<vmem_shared>> -> memref<10240x80xf32, #tpu.memory_space<vmem_shared>>
        tpu.wait_indirect_dma semaphore(%arg23 : memref<!tpu.dma_semaphore, #tpu.memory_space<semaphore_mem>>) src(%arg14 : memref<128x80xf32, #tpu.memory_space<vmem>>) dst(%dma_wait3A_156 : memref<10240x80xf32, #tpu.memory_space<vmem_shared>>)
      } else {
      }
      %scan3A_80 = arith.constant 0 : i32
      %scan3A_81 = arith.constant 0 : i32
      %scan3A_82 = arith.constant 128 : i32
      %scan3A_83 = arith.addi %scan3A_81, %scan3A_82 : i32
      %scan3A_84 = arith.constant 1 : i32
      scf.for %scan3A_144 = %scan3A_81 to %scan3A_83 step %scan3A_84  : i32 {
        %get3A = arith.index_cast %scan3A_144 : i32 to index
        %get3A_145 = arith.constant 0 : index
        %get3A_146 = tpu.vector_load %arg10[%get3A, %get3A_145] {strides = array<i32>} : memref<128x64xf32, #tpu.memory_space<vmem>>, vector<1x16xf32>,
        %get3A_147 = vector.shape_cast %get3A_146 : vector<1x16xf32> to vector<16xf32>
        %get3A_148 = arith.index_cast %scan3A_144 : i32 to index
        %get3A_149 = arith.constant 0 : index
        %get3A_150 = tpu.vector_load %arg12[%get3A_148, %get3A_149] {strides = array<i32>} : memref<128x64xf32, #tpu.memory_space<vmem>>, vector<1x16xf32>,
        %get3A_151 = vector.shape_cast %get3A_150 : vector<1x16xf32> to vector<16xf32>
        %add3A_152 = arith.addf %get3A_147, %get3A_151 : vector<16xf32>
        %max3A = arith.constant 0.000000e+00 : f32
        %max3A_153 = vector.broadcast %max3A : f32 to vector<16xf32>
        %max3A_154 = arith.maximumf %add3A_152, %max3A_153 : vector<16xf32>
        %swap3A = arith.index_cast %scan3A_144 : i32 to index
        %swap3A_155 = arith.constant 0 : index
        %swap3A_156 = tpu.vector_load %arg14[%swap3A, %swap3A_155] {strides = array<i32>} : memref<128x80xf32, #tpu.memory_space<vmem>>, vector<1x16xf32>,
        %swap3A_157 = vector.shape_cast %swap3A_156 : vector<1x16xf32> to vector<16xf32>
        %swap3A_158 = vector.shape_cast %max3A_154 : vector<16xf32> to vector<1x16xf32>
        tpu.vector_store %arg14[%swap3A, %swap3A_155], %swap3A_158 {strides = array<i32>} : memref<128x80xf32, #tpu.memory_space<vmem>>, vector<1x16xf32>,
        %get3A_159 = arith.index_cast %scan3A_144 : i32 to index
        %get3A_160 = arith.constant 16 : index
        %get3A_161 = tpu.vector_load %arg10[%get3A_159, %get3A_160] {strides = array<i32>} : memref<128x64xf32, #tpu.memory_space<vmem>>, vector<1x16xf32>,
        %get3A_162 = vector.shape_cast %get3A_161 : vector<1x16xf32> to vector<16xf32>
        %get3A_163 = arith.index_cast %scan3A_144 : i32 to index
        %get3A_164 = arith.constant 16 : index
        %get3A_165 = tpu.vector_load %arg12[%get3A_163, %get3A_164] {strides = array<i32>} : memref<128x64xf32, #tpu.memory_space<vmem>>, vector<1x16xf32>,
        %get3A_166 = vector.shape_cast %get3A_165 : vector<1x16xf32> to vector<16xf32>
        %add3A_167 = arith.addf %get3A_162, %get3A_166 : vector<16xf32>
        %max3A_168 = arith.constant 0.000000e+00 : f32
        %max3A_169 = vector.broadcast %max3A_168 : f32 to vector<16xf32>
        %max3A_170 = arith.maximumf %add3A_167, %max3A_169 : vector<16xf32>
        %swap3A_171 = arith.index_cast %scan3A_144 : i32 to index
        %swap3A_172 = arith.constant 16 : index
        %swap3A_173 = tpu.vector_load %arg14[%swap3A_171, %swap3A_172] {strides = array<i32>} : memref<128x80xf32, #tpu.memory_space<vmem>>, vector<1x16xf32>,
        %swap3A_174 = vector.shape_cast %swap3A_173 : vector<1x16xf32> to vector<16xf32>
        %swap3A_175 = vector.shape_cast %max3A_170 : vector<16xf32> to vector<1x16xf32>
        tpu.vector_store %arg14[%swap3A_171, %swap3A_172], %swap3A_175 {strides = array<i32>} : memref<128x80xf32, #tpu.memory_space<vmem>>, vector<1x16xf32>,
        %get3A_176 = arith.index_cast %scan3A_144 : i32 to index
        %get3A_177 = arith.constant 32 : index
        %get3A_178 = tpu.vector_load %arg10[%get3A_176, %get3A_177] {strides = array<i32>} : memref<128x64xf32, #tpu.memory_space<vmem>>, vector<1x16xf32>,
        %get3A_179 = vector.shape_cast %get3A_178 : vector<1x16xf32> to vector<16xf32>
        %get3A_180 = arith.index_cast %scan3A_144 : i32 to index
        %get3A_181 = arith.constant 32 : index
        %get3A_182 = tpu.vector_load %arg12[%get3A_180, %get3A_181] {strides = array<i32>} : memref<128x64xf32, #tpu.memory_space<vmem>>, vector<1x16xf32>,
        %get3A_183 = vector.shape_cast %get3A_182 : vector<1x16xf32> to vector<16xf32>
        %add3A_184 = arith.addf %get3A_179, %get3A_183 : vector<16xf32>
        %max3A_185 = arith.constant 0.000000e+00 : f32
        %max3A_186 = vector.broadcast %max3A_185 : f32 to vector<16xf32>
        %max3A_187 = arith.maximumf %add3A_184, %max3A_186 : vector<16xf32>
        %swap3A_188 = arith.index_cast %scan3A_144 : i32 to index
        %swap3A_189 = arith.constant 32 : index
        %swap3A_190 = tpu.vector_load %arg14[%swap3A_188, %swap3A_189] {strides = array<i32>} : memref<128x80xf32, #tpu.memory_space<vmem>>, vector<1x16xf32>,
        %swap3A_191 = vector.shape_cast %swap3A_190 : vector<1x16xf32> to vector<16xf32>
        %swap3A_192 = vector.shape_cast %max3A_187 : vector<16xf32> to vector<1x16xf32>
        tpu.vector_store %arg14[%swap3A_188, %swap3A_189], %swap3A_192 {strides = array<i32>} : memref<128x80xf32, #tpu.memory_space<vmem>>, vector<1x16xf32>,
        %get3A_193 = arith.index_cast %scan3A_144 : i32 to index
        %get3A_194 = arith.constant 48 : index
        %get3A_195 = tpu.vector_load %arg10[%get3A_193, %get3A_194] {strides = array<i32>} : memref<128x64xf32, #tpu.memory_space<vmem>>, vector<1x16xf32>,
        %get3A_196 = vector.shape_cast %get3A_195 : vector<1x16xf32> to vector<16xf32>
        %get3A_197 = arith.index_cast %scan3A_144 : i32 to index
        %get3A_198 = arith.constant 48 : index
        %get3A_199 = tpu.vector_load %arg12[%get3A_197, %get3A_198] {strides = array<i32>} : memref<128x64xf32, #tpu.memory_space<vmem>>, vector<1x16xf32>,
        %get3A_200 = vector.shape_cast %get3A_199 : vector<1x16xf32> to vector<16xf32>
        %add3A_201 = arith.addf %get3A_196, %get3A_200 : vector<16xf32>
        %max3A_202 = arith.constant 0.000000e+00 : f32
        %max3A_203 = vector.broadcast %max3A_202 : f32 to vector<16xf32>
        %max3A_204 = arith.maximumf %add3A_201, %max3A_203 : vector<16xf32>
        %swap3A_205 = arith.index_cast %scan3A_144 : i32 to index
        %swap3A_206 = arith.constant 48 : index
        %swap3A_207 = tpu.vector_load %arg14[%swap3A_205, %swap3A_206] {strides = array<i32>} : memref<128x80xf32, #tpu.memory_space<vmem>>, vector<1x16xf32>,
        %swap3A_208 = vector.shape_cast %swap3A_207 : vector<1x16xf32> to vector<16xf32>
        %swap3A_209 = vector.shape_cast %max3A_204 : vector<16xf32> to vector<1x16xf32>
        tpu.vector_store %arg14[%swap3A_205, %swap3A_206], %swap3A_209 {strides = array<i32>} : memref<128x80xf32, #tpu.memory_space<vmem>>, vector<1x16xf32>,
      }
      %scan3A_85 = arith.constant 128 : i32
      %dma_start3A_86 = arith.constant 0 : i32
      %dma_start3A_87 = tpu.memref_slice %arg8[%add3A_59, %dma_start3A_86] : memref<40x128xi32, #tpu.memory_space<vmem>> -> memref<1x128xi32, #tpu.memory_space<vmem>>
      %dma_start3A_88 = tpu.memref_squeeze %dma_start3A_87 : memref<1x128xi32, #tpu.memory_space<vmem>> -> memref<128xi32, #tpu.memory_space<vmem>>
      %dma_start3A_89 = arith.constant 0 : i32
      %dma_start3A_90 = arith.constant 0 : i32
      %dma_start3A_91 = tpu.memref_slice %arg16[%dma_start3A_89, %dma_start3A_90] : memref<10240x80xf32, #tpu.memory_space<vmem_shared>> -> memref<10240x80xf32, #tpu.memory_space<vmem_shared>>
      tpu.enqueue_indirect_dma source(%arg14 : memref<128x80xf32, #tpu.memory_space<vmem>>) target(%dma_start3A_91 : memref<10240x80xf32, #tpu.memory_space<vmem_shared>>) offsets(%dma_start3A_88 : memref<128xi32, #tpu.memory_space<vmem>>) semaphore(%arg21 : memref<!tpu.dma_semaphore, #tpu.memory_space<semaphore_mem>>) {add = true}
      %dma_start3A_92 = arith.constant 0 : i32
      %dma_start3A_93 = tpu.memref_slice %arg9[%add3A_59, %dma_start3A_92] : memref<40x128xi32, #tpu.memory_space<vmem>> -> memref<1x128xi32, #tpu.memory_space<vmem>>
      %dma_start3A_94 = tpu.memref_squeeze %dma_start3A_93 : memref<1x128xi32, #tpu.memory_space<vmem>> -> memref<128xi32, #tpu.memory_space<vmem>>
      %dma_start3A_95 = arith.constant 0 : i32
      %dma_start3A_96 = arith.constant 0 : i32
      %dma_start3A_97 = tpu.memref_slice %arg16[%dma_start3A_95, %dma_start3A_96] : memref<10240x80xf32, #tpu.memory_space<vmem_shared>> -> memref<10240x80xf32, #tpu.memory_space<vmem_shared>>
      tpu.enqueue_indirect_dma source(%arg14 : memref<128x80xf32, #tpu.memory_space<vmem>>) target(%dma_start3A_97 : memref<10240x80xf32, #tpu.memory_space<vmem_shared>>) offsets(%dma_start3A_94 : memref<128xi32, #tpu.memory_space<vmem>>) semaphore(%arg23 : memref<!tpu.dma_semaphore, #tpu.memory_space<semaphore_mem>>) {add = true}
      %mul3A_98 = arith.constant 2 : i32
      %mul3A_99 = arith.muli %scan3A_55, %mul3A_98 : i32
      %add3A_100 = arith.constant 1 : i32
      %add3A_101 = arith.addi %mul3A_99, %add3A_100 : i32
      %dma_wait3A_102 = arith.constant 0 : i32
      %dma_wait3A_103 = tpu.memref_slice %arg8[%add3A_101, %dma_wait3A_102] : memref<40x128xi32, #tpu.memory_space<vmem>> -> memref<1x128xi32, #tpu.memory_space<vmem>>
      %dma_wait3A_104 = tpu.memref_squeeze %dma_wait3A_103 : memref<1x128xi32, #tpu.memory_space<vmem>> -> memref<128xi32, #tpu.memory_space<vmem>>
      %dma_wait3A_105 = arith.constant 0 : i32
      %dma_wait3A_106 = arith.constant 0 : i32
      %dma_wait3A_107 = tpu.memref_slice %arg2[%dma_wait3A_105, %dma_wait3A_106] : memref<10240x64xf32, #tpu.memory_space<hbm>> -> memref<10240x64xf32, #tpu.memory_space<hbm>>
      tpu.wait_indirect_dma semaphore(%arg18 : memref<!tpu.dma_semaphore, #tpu.memory_space<semaphore_mem>>) src(%dma_wait3A_107 : memref<10240x64xf32, #tpu.memory_space<hbm>>) dst(%arg11 : memref<128x64xf32, #tpu.memory_space<vmem>>)
      %dma_wait3A_108 = arith.constant 0 : i32
      %dma_wait3A_109 = tpu.memref_slice %arg9[%add3A_101, %dma_wait3A_108] : memref<40x128xi32, #tpu.memory_space<vmem>> -> memref<1x128xi32, #tpu.memory_space<vmem>>
      %dma_wait3A_110 = tpu.memref_squeeze %dma_wait3A_109 : memref<1x128xi32, #tpu.memory_space<vmem>> -> memref<128xi32, #tpu.memory_space<vmem>>
      %dma_wait3A_111 = arith.constant 0 : i32
      %dma_wait3A_112 = arith.constant 0 : i32
      %dma_wait3A_113 = tpu.memref_slice %arg3[%dma_wait3A_111, %dma_wait3A_112] : memref<10240x64xf32, #tpu.memory_space<hbm>> -> memref<10240x64xf32, #tpu.memory_space<hbm>>
      tpu.wait_indirect_dma semaphore(%arg20 : memref<!tpu.dma_semaphore, #tpu.memory_space<semaphore_mem>>) src(%dma_wait3A_113 : memref<10240x64xf32, #tpu.memory_space<hbm>>) dst(%arg13 : memref<128x64xf32, #tpu.memory_space<vmem>>)
      %add3A_114 = arith.constant 1 : i32
      %add3A_115 = arith.addi %add3A_101, %add3A_114 : i32
      %lt3A_116 = arith.constant 40 : i32
      %lt3A_117 = arith.cmpi slt, %add3A_115, %lt3A_116 : i32
      %convert_element_type3A_118 = arith.extui %lt3A_117 : i1 to i32
      %cond3A_119 = arith.constant 0 : i32
      %cond3A_120 = arith.cmpi ne, %convert_element_type3A_118, %cond3A_119 : i32
      scf.if %cond3A_120 {
        %add3A_144 = arith.constant 1 : i32
        %add3A_145 = arith.addi %add3A_101, %add3A_144 : i32
        %dma_start3A_146 = arith.constant 0 : i32
        %dma_start3A_147 = tpu.memref_slice %arg8[%add3A_145, %dma_start3A_146] : memref<40x128xi32, #tpu.memory_space<vmem>> -> memref<1x128xi32, #tpu.memory_space<vmem>>
        %dma_start3A_148 = tpu.memref_squeeze %dma_start3A_147 : memref<1x128xi32, #tpu.memory_space<vmem>> -> memref<128xi32, #tpu.memory_space<vmem>>
        %dma_start3A_149 = arith.constant 0 : i32
        %dma_start3A_150 = arith.constant 0 : i32
        %dma_start3A_151 = tpu.memref_slice %arg2[%dma_start3A_149, %dma_start3A_150] : memref<10240x64xf32, #tpu.memory_space<hbm>> -> memref<10240x64xf32, #tpu.memory_space<hbm>>
        tpu.enqueue_indirect_dma source(%dma_start3A_151 : memref<10240x64xf32, #tpu.memory_space<hbm>>) target(%arg10 : memref<128x64xf32, #tpu.memory_space<vmem>>) offsets(%dma_start3A_148 : memref<128xi32, #tpu.memory_space<vmem>>) semaphore(%arg17 : memref<!tpu.dma_semaphore, #tpu.memory_space<semaphore_mem>>)
        %dma_start3A_152 = arith.constant 0 : i32
        %dma_start3A_153 = tpu.memref_slice %arg9[%add3A_145, %dma_start3A_152] : memref<40x128xi32, #tpu.memory_space<vmem>> -> memref<1x128xi32, #tpu.memory_space<vmem>>
        %dma_start3A_154 = tpu.memref_squeeze %dma_start3A_153 : memref<1x128xi32, #tpu.memory_space<vmem>> -> memref<128xi32, #tpu.memory_space<vmem>>
        %dma_start3A_155 = arith.constant 0 : i32
        %dma_start3A_156 = arith.constant 0 : i32
        %dma_start3A_157 = tpu.memref_slice %arg3[%dma_start3A_155, %dma_start3A_156] : memref<10240x64xf32, #tpu.memory_space<hbm>> -> memref<10240x64xf32, #tpu.memory_space<hbm>>
        tpu.enqueue_indirect_dma source(%dma_start3A_157 : memref<10240x64xf32, #tpu.memory_space<hbm>>) target(%arg12 : memref<128x64xf32, #tpu.memory_space<vmem>>) offsets(%dma_start3A_154 : memref<128xi32, #tpu.memory_space<vmem>>) semaphore(%arg19 : memref<!tpu.dma_semaphore, #tpu.memory_space<semaphore_mem>>)
      } else {
      }
      %ge3A_121 = arith.constant 2 : i32
      %ge3A_122 = arith.cmpi sge, %add3A_101, %ge3A_121 : i32
      %convert_element_type3A_123 = arith.extui %ge3A_122 : i1 to i32
      %cond3A_124 = arith.constant 0 : i32
      %cond3A_125 = arith.cmpi ne, %convert_element_type3A_123, %cond3A_124 : i32
      scf.if %cond3A_125 {
        %sub3A = arith.constant 2 : i32
        %sub3A_144 = arith.subi %add3A_101, %sub3A : i32
        %dma_wait3A_145 = arith.constant 0 : i32
        %dma_wait3A_146 = tpu.memref_slice %arg8[%sub3A_144, %dma_wait3A_145] : memref<40x128xi32, #tpu.memory_space<vmem>> -> memref<1x128xi32, #tpu.memory_space<vmem>>
        %dma_wait3A_147 = tpu.memref_squeeze %dma_wait3A_146 : memref<1x128xi32, #tpu.memory_space<vmem>> -> memref<128xi32, #tpu.memory_space<vmem>>
        %dma_wait3A_148 = arith.constant 0 : i32
        %dma_wait3A_149 = arith.constant 0 : i32
        %dma_wait3A_150 = tpu.memref_slice %arg16[%dma_wait3A_148, %dma_wait3A_149] : memref<10240x80xf32, #tpu.memory_space<vmem_shared>> -> memref<10240x80xf32, #tpu.memory_space<vmem_shared>>
        tpu.wait_indirect_dma semaphore(%arg22 : memref<!tpu.dma_semaphore, #tpu.memory_space<semaphore_mem>>) src(%arg15 : memref<128x80xf32, #tpu.memory_space<vmem>>) dst(%dma_wait3A_150 : memref<10240x80xf32, #tpu.memory_space<vmem_shared>>)
        %dma_wait3A_151 = arith.constant 0 : i32
        %dma_wait3A_152 = tpu.memref_slice %arg9[%sub3A_144, %dma_wait3A_151] : memref<40x128xi32, #tpu.memory_space<vmem>> -> memref<1x128xi32, #tpu.memory_space<vmem>>
        %dma_wait3A_153 = tpu.memref_squeeze %dma_wait3A_152 : memref<1x128xi32, #tpu.memory_space<vmem>> -> memref<128xi32, #tpu.memory_space<vmem>>
        %dma_wait3A_154 = arith.constant 0 : i32
        %dma_wait3A_155 = arith.constant 0 : i32
        %dma_wait3A_156 = tpu.memref_slice %arg16[%dma_wait3A_154, %dma_wait3A_155] : memref<10240x80xf32, #tpu.memory_space<vmem_shared>> -> memref<10240x80xf32, #tpu.memory_space<vmem_shared>>
        tpu.wait_indirect_dma semaphore(%arg24 : memref<!tpu.dma_semaphore, #tpu.memory_space<semaphore_mem>>) src(%arg15 : memref<128x80xf32, #tpu.memory_space<vmem>>) dst(%dma_wait3A_156 : memref<10240x80xf32, #tpu.memory_space<vmem_shared>>)
      } else {
      }
      %scan3A_126 = arith.constant 0 : i32
      %scan3A_127 = arith.constant 0 : i32
      %scan3A_128 = arith.constant 128 : i32
      %scan3A_129 = arith.addi %scan3A_127, %scan3A_128 : i32
      %scan3A_130 = arith.constant 1 : i32
      scf.for %scan3A_144 = %scan3A_127 to %scan3A_129 step %scan3A_130  : i32 {
        %get3A = arith.index_cast %scan3A_144 : i32 to index
        %get3A_145 = arith.constant 0 : index
        %get3A_146 = tpu.vector_load %arg11[%get3A, %get3A_145] {strides = array<i32>} : memref<128x64xf32, #tpu.memory_space<vmem>>, vector<1x16xf32>,
        %get3A_147 = vector.shape_cast %get3A_146 : vector<1x16xf32> to vector<16xf32>
        %get3A_148 = arith.index_cast %scan3A_144 : i32 to index
        %get3A_149 = arith.constant 0 : index
        %get3A_150 = tpu.vector_load %arg13[%get3A_148, %get3A_149] {strides = array<i32>} : memref<128x64xf32, #tpu.memory_space<vmem>>, vector<1x16xf32>,
        %get3A_151 = vector.shape_cast %get3A_150 : vector<1x16xf32> to vector<16xf32>
        %add3A_152 = arith.addf %get3A_147, %get3A_151 : vector<16xf32>
        %max3A = arith.constant 0.000000e+00 : f32
        %max3A_153 = vector.broadcast %max3A : f32 to vector<16xf32>
        %max3A_154 = arith.maximumf %add3A_152, %max3A_153 : vector<16xf32>
        %swap3A = arith.index_cast %scan3A_144 : i32 to index
        %swap3A_155 = arith.constant 0 : index
        %swap3A_156 = tpu.vector_load %arg15[%swap3A, %swap3A_155] {strides = array<i32>} : memref<128x80xf32, #tpu.memory_space<vmem>>, vector<1x16xf32>,
        %swap3A_157 = vector.shape_cast %swap3A_156 : vector<1x16xf32> to vector<16xf32>
        %swap3A_158 = vector.shape_cast %max3A_154 : vector<16xf32> to vector<1x16xf32>
        tpu.vector_store %arg15[%swap3A, %swap3A_155], %swap3A_158 {strides = array<i32>} : memref<128x80xf32, #tpu.memory_space<vmem>>, vector<1x16xf32>,
        %get3A_159 = arith.index_cast %scan3A_144 : i32 to index
        %get3A_160 = arith.constant 16 : index
        %get3A_161 = tpu.vector_load %arg11[%get3A_159, %get3A_160] {strides = array<i32>} : memref<128x64xf32, #tpu.memory_space<vmem>>, vector<1x16xf32>,
        %get3A_162 = vector.shape_cast %get3A_161 : vector<1x16xf32> to vector<16xf32>
        %get3A_163 = arith.index_cast %scan3A_144 : i32 to index
        %get3A_164 = arith.constant 16 : index
        %get3A_165 = tpu.vector_load %arg13[%get3A_163, %get3A_164] {strides = array<i32>} : memref<128x64xf32, #tpu.memory_space<vmem>>, vector<1x16xf32>,
        %get3A_166 = vector.shape_cast %get3A_165 : vector<1x16xf32> to vector<16xf32>
        %add3A_167 = arith.addf %get3A_162, %get3A_166 : vector<16xf32>
        %max3A_168 = arith.constant 0.000000e+00 : f32
        %max3A_169 = vector.broadcast %max3A_168 : f32 to vector<16xf32>
        %max3A_170 = arith.maximumf %add3A_167, %max3A_169 : vector<16xf32>
        %swap3A_171 = arith.index_cast %scan3A_144 : i32 to index
        %swap3A_172 = arith.constant 16 : index
        %swap3A_173 = tpu.vector_load %arg15[%swap3A_171, %swap3A_172] {strides = array<i32>} : memref<128x80xf32, #tpu.memory_space<vmem>>, vector<1x16xf32>,
        %swap3A_174 = vector.shape_cast %swap3A_173 : vector<1x16xf32> to vector<16xf32>
        %swap3A_175 = vector.shape_cast %max3A_170 : vector<16xf32> to vector<1x16xf32>
        tpu.vector_store %arg15[%swap3A_171, %swap3A_172], %swap3A_175 {strides = array<i32>} : memref<128x80xf32, #tpu.memory_space<vmem>>, vector<1x16xf32>,
        %get3A_176 = arith.index_cast %scan3A_144 : i32 to index
        %get3A_177 = arith.constant 32 : index
        %get3A_178 = tpu.vector_load %arg11[%get3A_176, %get3A_177] {strides = array<i32>} : memref<128x64xf32, #tpu.memory_space<vmem>>, vector<1x16xf32>,
        %get3A_179 = vector.shape_cast %get3A_178 : vector<1x16xf32> to vector<16xf32>
        %get3A_180 = arith.index_cast %scan3A_144 : i32 to index
        %get3A_181 = arith.constant 32 : index
        %get3A_182 = tpu.vector_load %arg13[%get3A_180, %get3A_181] {strides = array<i32>} : memref<128x64xf32, #tpu.memory_space<vmem>>, vector<1x16xf32>,
        %get3A_183 = vector.shape_cast %get3A_182 : vector<1x16xf32> to vector<16xf32>
        %add3A_184 = arith.addf %get3A_179, %get3A_183 : vector<16xf32>
        %max3A_185 = arith.constant 0.000000e+00 : f32
        %max3A_186 = vector.broadcast %max3A_185 : f32 to vector<16xf32>
        %max3A_187 = arith.maximumf %add3A_184, %max3A_186 : vector<16xf32>
        %swap3A_188 = arith.index_cast %scan3A_144 : i32 to index
        %swap3A_189 = arith.constant 32 : index
        %swap3A_190 = tpu.vector_load %arg15[%swap3A_188, %swap3A_189] {strides = array<i32>} : memref<128x80xf32, #tpu.memory_space<vmem>>, vector<1x16xf32>,
        %swap3A_191 = vector.shape_cast %swap3A_190 : vector<1x16xf32> to vector<16xf32>
        %swap3A_192 = vector.shape_cast %max3A_187 : vector<16xf32> to vector<1x16xf32>
        tpu.vector_store %arg15[%swap3A_188, %swap3A_189], %swap3A_192 {strides = array<i32>} : memref<128x80xf32, #tpu.memory_space<vmem>>, vector<1x16xf32>,
        %get3A_193 = arith.index_cast %scan3A_144 : i32 to index
        %get3A_194 = arith.constant 48 : index
        %get3A_195 = tpu.vector_load %arg11[%get3A_193, %get3A_194] {strides = array<i32>} : memref<128x64xf32, #tpu.memory_space<vmem>>, vector<1x16xf32>,
        %get3A_196 = vector.shape_cast %get3A_195 : vector<1x16xf32> to vector<16xf32>
        %get3A_197 = arith.index_cast %scan3A_144 : i32 to index
        %get3A_198 = arith.constant 48 : index
        %get3A_199 = tpu.vector_load %arg13[%get3A_197, %get3A_198] {strides = array<i32>} : memref<128x64xf32, #tpu.memory_space<vmem>>, vector<1x16xf32>,
        %get3A_200 = vector.shape_cast %get3A_199 : vector<1x16xf32> to vector<16xf32>
        %add3A_201 = arith.addf %get3A_196, %get3A_200 : vector<16xf32>
        %max3A_202 = arith.constant 0.000000e+00 : f32
        %max3A_203 = vector.broadcast %max3A_202 : f32 to vector<16xf32>
        %max3A_204 = arith.maximumf %add3A_201, %max3A_203 : vector<16xf32>
        %swap3A_205 = arith.index_cast %scan3A_144 : i32 to index
        %swap3A_206 = arith.constant 48 : index
        %swap3A_207 = tpu.vector_load %arg15[%swap3A_205, %swap3A_206] {strides = array<i32>} : memref<128x80xf32, #tpu.memory_space<vmem>>, vector<1x16xf32>,
        %swap3A_208 = vector.shape_cast %swap3A_207 : vector<1x16xf32> to vector<16xf32>
        %swap3A_209 = vector.shape_cast %max3A_204 : vector<16xf32> to vector<1x16xf32>
        tpu.vector_store %arg15[%swap3A_205, %swap3A_206], %swap3A_209 {strides = array<i32>} : memref<128x80xf32, #tpu.memory_space<vmem>>, vector<1x16xf32>,
      }
      %scan3A_131 = arith.constant 128 : i32
      %dma_start3A_132 = arith.constant 0 : i32
      %dma_start3A_133 = tpu.memref_slice %arg8[%add3A_101, %dma_start3A_132] : memref<40x128xi32, #tpu.memory_space<vmem>> -> memref<1x128xi32, #tpu.memory_space<vmem>>
      %dma_start3A_134 = tpu.memref_squeeze %dma_start3A_133 : memref<1x128xi32, #tpu.memory_space<vmem>> -> memref<128xi32, #tpu.memory_space<vmem>>
      %dma_start3A_135 = arith.constant 0 : i32
      %dma_start3A_136 = arith.constant 0 : i32
      %dma_start3A_137 = tpu.memref_slice %arg16[%dma_start3A_135, %dma_start3A_136] : memref<10240x80xf32, #tpu.memory_space<vmem_shared>> -> memref<10240x80xf32, #tpu.memory_space<vmem_shared>>
      tpu.enqueue_indirect_dma source(%arg15 : memref<128x80xf32, #tpu.memory_space<vmem>>) target(%dma_start3A_137 : memref<10240x80xf32, #tpu.memory_space<vmem_shared>>) offsets(%dma_start3A_134 : memref<128xi32, #tpu.memory_space<vmem>>) semaphore(%arg22 : memref<!tpu.dma_semaphore, #tpu.memory_space<semaphore_mem>>) {add = true}
      %dma_start3A_138 = arith.constant 0 : i32
      %dma_start3A_139 = tpu.memref_slice %arg9[%add3A_101, %dma_start3A_138] : memref<40x128xi32, #tpu.memory_space<vmem>> -> memref<1x128xi32, #tpu.memory_space<vmem>>
      %dma_start3A_140 = tpu.memref_squeeze %dma_start3A_139 : memref<1x128xi32, #tpu.memory_space<vmem>> -> memref<128xi32, #tpu.memory_space<vmem>>
      %dma_start3A_141 = arith.constant 0 : i32
      %dma_start3A_142 = arith.constant 0 : i32
      %dma_start3A_143 = tpu.memref_slice %arg16[%dma_start3A_141, %dma_start3A_142] : memref<10240x80xf32, #tpu.memory_space<vmem_shared>> -> memref<10240x80xf32, #tpu.memory_space<vmem_shared>>
      tpu.enqueue_indirect_dma source(%arg15 : memref<128x80xf32, #tpu.memory_space<vmem>>) target(%dma_start3A_143 : memref<10240x80xf32, #tpu.memory_space<vmem_shared>>) offsets(%dma_start3A_140 : memref<128xi32, #tpu.memory_space<vmem>>) semaphore(%arg24 : memref<!tpu.dma_semaphore, #tpu.memory_space<semaphore_mem>>) {add = true}
    }
    %scan3A_26 = arith.constant 20 : i32
    %dma_wait3A = arith.constant 38 : i32
    %dma_wait3A_27 = arith.constant 0 : i32
    %dma_wait3A_28 = tpu.memref_slice %arg8[%dma_wait3A, %dma_wait3A_27] : memref<40x128xi32, #tpu.memory_space<vmem>> -> memref<1x128xi32, #tpu.memory_space<vmem>>
    %dma_wait3A_29 = tpu.memref_squeeze %dma_wait3A_28 : memref<1x128xi32, #tpu.memory_space<vmem>> -> memref<128xi32, #tpu.memory_space<vmem>>
    %dma_wait3A_30 = arith.constant 0 : i32
    %dma_wait3A_31 = arith.constant 0 : i32
    %dma_wait3A_32 = tpu.memref_slice %arg16[%dma_wait3A_30, %dma_wait3A_31] : memref<10240x80xf32, #tpu.memory_space<vmem_shared>> -> memref<10240x80xf32, #tpu.memory_space<vmem_shared>>
    tpu.wait_indirect_dma semaphore(%arg21 : memref<!tpu.dma_semaphore, #tpu.memory_space<semaphore_mem>>) src(%arg14 : memref<128x80xf32, #tpu.memory_space<vmem>>) dst(%dma_wait3A_32 : memref<10240x80xf32, #tpu.memory_space<vmem_shared>>)
    %dma_wait3A_33 = arith.constant 38 : i32
    %dma_wait3A_34 = arith.constant 0 : i32
    %dma_wait3A_35 = tpu.memref_slice %arg9[%dma_wait3A_33, %dma_wait3A_34] : memref<40x128xi32, #tpu.memory_space<vmem>> -> memref<1x128xi32, #tpu.memory_space<vmem>>
    %dma_wait3A_36 = tpu.memref_squeeze %dma_wait3A_35 : memref<1x128xi32, #tpu.memory_space<vmem>> -> memref<128xi32, #tpu.memory_space<vmem>>
    %dma_wait3A_37 = arith.constant 0 : i32
    %dma_wait3A_38 = arith.constant 0 : i32
    %dma_wait3A_39 = tpu.memref_slice %arg16[%dma_wait3A_37, %dma_wait3A_38] : memref<10240x80xf32, #tpu.memory_space<vmem_shared>> -> memref<10240x80xf32, #tpu.memory_space<vmem_shared>>
    tpu.wait_indirect_dma semaphore(%arg23 : memref<!tpu.dma_semaphore, #tpu.memory_space<semaphore_mem>>) src(%arg14 : memref<128x80xf32, #tpu.memory_space<vmem>>) dst(%dma_wait3A_39 : memref<10240x80xf32, #tpu.memory_space<vmem_shared>>)
    %dma_wait3A_40 = arith.constant 39 : i32
    %dma_wait3A_41 = arith.constant 0 : i32
    %dma_wait3A_42 = tpu.memref_slice %arg8[%dma_wait3A_40, %dma_wait3A_41] : memref<40x128xi32, #tpu.memory_space<vmem>> -> memref<1x128xi32, #tpu.memory_space<vmem>>
    %dma_wait3A_43 = tpu.memref_squeeze %dma_wait3A_42 : memref<1x128xi32, #tpu.memory_space<vmem>> -> memref<128xi32, #tpu.memory_space<vmem>>
    %dma_wait3A_44 = arith.constant 0 : i32
    %dma_wait3A_45 = arith.constant 0 : i32
    %dma_wait3A_46 = tpu.memref_slice %arg16[%dma_wait3A_44, %dma_wait3A_45] : memref<10240x80xf32, #tpu.memory_space<vmem_shared>> -> memref<10240x80xf32, #tpu.memory_space<vmem_shared>>
    tpu.wait_indirect_dma semaphore(%arg22 : memref<!tpu.dma_semaphore, #tpu.memory_space<semaphore_mem>>) src(%arg15 : memref<128x80xf32, #tpu.memory_space<vmem>>) dst(%dma_wait3A_46 : memref<10240x80xf32, #tpu.memory_space<vmem_shared>>)
    %dma_wait3A_47 = arith.constant 39 : i32
    %dma_wait3A_48 = arith.constant 0 : i32
    %dma_wait3A_49 = tpu.memref_slice %arg9[%dma_wait3A_47, %dma_wait3A_48] : memref<40x128xi32, #tpu.memory_space<vmem>> -> memref<1x128xi32, #tpu.memory_space<vmem>>
    %dma_wait3A_50 = tpu.memref_squeeze %dma_wait3A_49 : memref<1x128xi32, #tpu.memory_space<vmem>> -> memref<128xi32, #tpu.memory_space<vmem>>
    %dma_wait3A_51 = arith.constant 0 : i32
    %dma_wait3A_52 = arith.constant 0 : i32
    %dma_wait3A_53 = tpu.memref_slice %arg16[%dma_wait3A_51, %dma_wait3A_52] : memref<10240x80xf32, #tpu.memory_space<vmem_shared>> -> memref<10240x80xf32, #tpu.memory_space<vmem_shared>>
    tpu.wait_indirect_dma semaphore(%arg24 : memref<!tpu.dma_semaphore, #tpu.memory_space<semaphore_mem>>) src(%arg15 : memref<128x80xf32, #tpu.memory_space<vmem>>) dst(%dma_wait3A_53 : memref<10240x80xf32, #tpu.memory_space<vmem_shared>>)
    %barrier3A_54 = arith.constant 0 : index
    tpu.barrier barrier_id(%barrier3A_54)
    "tpu.region"() ({
      %run_scoped3A = tpu.sem_alloc : memref<!tpu.dma_semaphore, #tpu.memory_space<semaphore_mem>>
      %dma_start3A_55 = arith.constant 0 : i32
      %dma_start3A_56 = tpu.memref_slice %arg7[%arg0, %mul3A_2, %dma_start3A_55] : memref<2x10240x80xf32, #tpu.memory_space<hbm>> -> memref<1x640x80xf32, #tpu.memory_space<hbm>>
      %dma_start3A_57 = tpu.memref_squeeze %dma_start3A_56 : memref<1x640x80xf32, #tpu.memory_space<hbm>> -> memref<640x80xf32, #tpu.memory_space<hbm>>
      %dma_start3A_58 = arith.constant 0 : i32
      %dma_start3A_59 = tpu.memref_slice %arg16[%mul3A_2, %dma_start3A_58] : memref<10240x80xf32, #tpu.memory_space<vmem_shared>> -> memref<640x80xf32, #tpu.memory_space<vmem_shared>>
      tpu.enqueue_dma source(%dma_start3A_59 : memref<640x80xf32, #tpu.memory_space<vmem_shared>>) target(%dma_start3A_57 : memref<640x80xf32, #tpu.memory_space<hbm>>) target_semaphore(%run_scoped3A : memref<!tpu.dma_semaphore, #tpu.memory_space<semaphore_mem>>)
      %dma_wait3A_60 = arith.constant 0 : i32
      %dma_wait3A_61 = tpu.memref_slice %arg7[%arg0, %mul3A_2, %dma_wait3A_60] : memref<2x10240x80xf32, #tpu.memory_space<hbm>> -> memref<1x640x80xf32, #tpu.memory_space<hbm>>
      %dma_wait3A_62 = tpu.memref_squeeze %dma_wait3A_61 : memref<1x640x80xf32, #tpu.memory_space<hbm>> -> memref<640x80xf32, #tpu.memory_space<hbm>>
      %dma_wait3A_63 = arith.constant 0 : i32
      %dma_wait3A_64 = tpu.memref_slice %arg16[%mul3A_2, %dma_wait3A_63] : memref<10240x80xf32, #tpu.memory_space<vmem_shared>> -> memref<640x80xf32, #tpu.memory_space<vmem_shared>>
      tpu.wait_dma2 semaphore(%run_scoped3A : memref<!tpu.dma_semaphore, #tpu.memory_space<semaphore_mem>>) src(%dma_wait3A_64 : memref<640x80xf32, #tpu.memory_space<vmem_shared>>) dst(%dma_wait3A_62 : memref<640x80xf32, #tpu.memory_space<hbm>>)
      tpu.yield
    }) : () -> ()
    return
  }
}

module attributes {stable_mosaic.version = 14 : i64} {
  func.func @_tc_project_body(%arg0: i32, %arg1: memref<4x2000x128xf32, #tpu.memory_space<vmem>>, %arg2: memref<128x16xf32, #tpu.memory_space<vmem>>, %arg3: memref<128x16xf32, #tpu.memory_space<vmem>>, %arg4: memref<128x16xf32, #tpu.memory_space<vmem>>, %arg5: memref<1x16xf32, #tpu.memory_space<vmem>>, %arg6: memref<1x16xf32, #tpu.memory_space<vmem>>, %arg7: memref<16x8xf32, #tpu.memory_space<vmem>>, %arg8: memref<1x8xf32, #tpu.memory_space<vmem>>, %arg9: memref<2000x64xf32, #tpu.memory_space<vmem>>, %arg10: memref<2000x64xf32, #tpu.memory_space<vmem>>, %arg11: memref<2000x32xf32, #tpu.memory_space<vmem>>) attributes {dimension_semantics = [#tpu.dimension_semantics<arbitrary>], iteration_bounds = array<i64: 5>, scalar_prefetch = 0 : i64, scratch_operands = 0 : i64, tpu.core_type = #tpu.core_type<tc>, window_params = [{transform_indices = @transform_0, window_bounds = array<i64: 4, 2000, 128>}, {pipeline_mode = #tpu.pipeline_mode<synchronous>, transform_indices = @transform_1, window_bounds = array<i64: 128, 16>}, {pipeline_mode = #tpu.pipeline_mode<synchronous>, transform_indices = @transform_2, window_bounds = array<i64: 128, 16>}, {pipeline_mode = #tpu.pipeline_mode<synchronous>, transform_indices = @transform_3, window_bounds = array<i64: 128, 16>}, {pipeline_mode = #tpu.pipeline_mode<synchronous>, transform_indices = @transform_4, window_bounds = array<i64: 1, 16>}, {pipeline_mode = #tpu.pipeline_mode<synchronous>, transform_indices = @transform_5, window_bounds = array<i64: 1, 16>}, {pipeline_mode = #tpu.pipeline_mode<synchronous>, transform_indices = @transform_6, window_bounds = array<i64: 16, 8>}, {pipeline_mode = #tpu.pipeline_mode<synchronous>, transform_indices = @transform_7, window_bounds = array<i64: 1, 8>}, {transform_indices = @transform_8, window_bounds = array<i64: 2000, 64>}, {transform_indices = @transform_9, window_bounds = array<i64: 2000, 64>}, {transform_indices = @transform_10, window_bounds = array<i64: 2000, 32>}]} {
    %get3A = arith.constant 0 : index
    %get3A_0 = arith.constant 0 : index
    %get3A_1 = arith.constant 0 : index
    %get3A_2 = vector.load %arg1[%get3A, %get3A_0, %get3A_1] : memref<4x2000x128xf32, #tpu.memory_space<vmem>>, vector<1x2000x128xf32>
    %get3A_3 = vector.shape_cast %get3A_2 : vector<1x2000x128xf32> to vector<2000x128xf32>
    %get3A_4 = arith.constant 0 : index
    %get3A_5 = arith.constant 0 : index
    %get3A_6 = vector.load %arg2[%get3A_4, %get3A_5] : memref<128x16xf32, #tpu.memory_space<vmem>>, vector<128x16xf32>
    %dot_general3A = arith.constant dense<0.000000e+00> : vector<2000x16xf32>
    %dot_general3A_7 = tpu.matmul %get3A_3, %get3A_6, %dot_general3A {dimension_numbers = #tpu.dot_dimension_numbers<[1], [0], [0], [1], [0, 0, 1, 1], [], []>, transpose_lhs_hint = false} : vector<2000x128xf32>, vector<128x16xf32>, vector<2000x16xf32> -> vector<2000x16xf32>
    %get3A_8 = arith.constant 0 : index
    %get3A_9 = arith.constant 0 : index
    %get3A_10 = vector.load %arg5[%get3A_8, %get3A_9] : memref<1x16xf32, #tpu.memory_space<vmem>>, vector<1x16xf32>
    %add3A = vector.broadcast %get3A_10 : vector<1x16xf32> to vector<2000x16xf32>
    %add3A_11 = arith.addf %dot_general3A_7, %add3A : vector<2000x16xf32>
    %get3A_12 = arith.constant 0 : index
    %get3A_13 = arith.constant 0 : index
    %get3A_14 = vector.load %arg3[%get3A_12, %get3A_13] : memref<128x16xf32, #tpu.memory_space<vmem>>, vector<128x16xf32>
    %dot_general3A_15 = arith.constant dense<0.000000e+00> : vector<2000x16xf32>
    %dot_general3A_16 = tpu.matmul %get3A_3, %get3A_14, %dot_general3A_15 {dimension_numbers = #tpu.dot_dimension_numbers<[1], [0], [0], [1], [0, 0, 1, 1], [], []>, transpose_lhs_hint = false} : vector<2000x128xf32>, vector<128x16xf32>, vector<2000x16xf32> -> vector<2000x16xf32>
    %get3A_17 = arith.constant 0 : index
    %get3A_18 = arith.constant 0 : index
    %get3A_19 = vector.load %arg4[%get3A_17, %get3A_18] : memref<128x16xf32, #tpu.memory_space<vmem>>, vector<128x16xf32>
    %dot_general3A_20 = arith.constant dense<0.000000e+00> : vector<2000x16xf32>
    %dot_general3A_21 = tpu.matmul %get3A_3, %get3A_19, %dot_general3A_20 {dimension_numbers = #tpu.dot_dimension_numbers<[1], [0], [0], [1], [0, 0, 1, 1], [], []>, transpose_lhs_hint = false} : vector<2000x128xf32>, vector<128x16xf32>, vector<2000x16xf32> -> vector<2000x16xf32>
    %get3A_22 = arith.constant 0 : index
    %get3A_23 = arith.constant 0 : index
    %get3A_24 = vector.load %arg6[%get3A_22, %get3A_23] : memref<1x16xf32, #tpu.memory_space<vmem>>, vector<1x16xf32>
    %add3A_25 = vector.broadcast %get3A_24 : vector<1x16xf32> to vector<2000x16xf32>
    %add3A_26 = arith.addf %dot_general3A_21, %add3A_25 : vector<2000x16xf32>
    %max3A = arith.constant 0.000000e+00 : f32
    %max3A_27 = vector.broadcast %max3A : f32 to vector<2000x16xf32>
    %max3A_28 = arith.maximumf %add3A_26, %max3A_27 : vector<2000x16xf32>
    %get3A_29 = arith.constant 0 : index
    %get3A_30 = arith.constant 0 : index
    %get3A_31 = vector.load %arg7[%get3A_29, %get3A_30] : memref<16x8xf32, #tpu.memory_space<vmem>>, vector<16x8xf32>
    %dot_general3A_32 = arith.constant dense<0.000000e+00> : vector<2000x8xf32>
    %dot_general3A_33 = tpu.matmul %max3A_28, %get3A_31, %dot_general3A_32 {dimension_numbers = #tpu.dot_dimension_numbers<[1], [0], [0], [1], [0, 0, 1, 1], [], []>, transpose_lhs_hint = false} : vector<2000x16xf32>, vector<16x8xf32>, vector<2000x8xf32> -> vector<2000x8xf32>
    %get3A_34 = arith.constant 0 : index
    %get3A_35 = arith.constant 0 : index
    %get3A_36 = vector.load %arg8[%get3A_34, %get3A_35] : memref<1x8xf32, #tpu.memory_space<vmem>>, vector<1x8xf32>
    %add3A_37 = vector.broadcast %get3A_36 : vector<1x8xf32> to vector<2000x8xf32>
    %add3A_38 = arith.addf %dot_general3A_33, %add3A_37 : vector<2000x8xf32>
    %get3A_39 = arith.constant 1 : index
    %get3A_40 = arith.constant 0 : index
    %get3A_41 = arith.constant 0 : index
    %get3A_42 = vector.load %arg1[%get3A_39, %get3A_40, %get3A_41] : memref<4x2000x128xf32, #tpu.memory_space<vmem>>, vector<1x2000x128xf32>
    %get3A_43 = vector.shape_cast %get3A_42 : vector<1x2000x128xf32> to vector<2000x128xf32>
    %get3A_44 = arith.constant 0 : index
    %get3A_45 = arith.constant 0 : index
    %get3A_46 = vector.load %arg2[%get3A_44, %get3A_45] : memref<128x16xf32, #tpu.memory_space<vmem>>, vector<128x16xf32>
    %dot_general3A_47 = arith.constant dense<0.000000e+00> : vector<2000x16xf32>
    %dot_general3A_48 = tpu.matmul %get3A_43, %get3A_46, %dot_general3A_47 {dimension_numbers = #tpu.dot_dimension_numbers<[1], [0], [0], [1], [0, 0, 1, 1], [], []>, transpose_lhs_hint = false} : vector<2000x128xf32>, vector<128x16xf32>, vector<2000x16xf32> -> vector<2000x16xf32>
    %get3A_49 = arith.constant 0 : index
    %get3A_50 = arith.constant 0 : index
    %get3A_51 = vector.load %arg5[%get3A_49, %get3A_50] : memref<1x16xf32, #tpu.memory_space<vmem>>, vector<1x16xf32>
    %add3A_52 = vector.broadcast %get3A_51 : vector<1x16xf32> to vector<2000x16xf32>
    %add3A_53 = arith.addf %dot_general3A_48, %add3A_52 : vector<2000x16xf32>
    %get3A_54 = arith.constant 0 : index
    %get3A_55 = arith.constant 0 : index
    %get3A_56 = vector.load %arg3[%get3A_54, %get3A_55] : memref<128x16xf32, #tpu.memory_space<vmem>>, vector<128x16xf32>
    %dot_general3A_57 = arith.constant dense<0.000000e+00> : vector<2000x16xf32>
    %dot_general3A_58 = tpu.matmul %get3A_43, %get3A_56, %dot_general3A_57 {dimension_numbers = #tpu.dot_dimension_numbers<[1], [0], [0], [1], [0, 0, 1, 1], [], []>, transpose_lhs_hint = false} : vector<2000x128xf32>, vector<128x16xf32>, vector<2000x16xf32> -> vector<2000x16xf32>
    %get3A_59 = arith.constant 0 : index
    %get3A_60 = arith.constant 0 : index
    %get3A_61 = vector.load %arg4[%get3A_59, %get3A_60] : memref<128x16xf32, #tpu.memory_space<vmem>>, vector<128x16xf32>
    %dot_general3A_62 = arith.constant dense<0.000000e+00> : vector<2000x16xf32>
    %dot_general3A_63 = tpu.matmul %get3A_43, %get3A_61, %dot_general3A_62 {dimension_numbers = #tpu.dot_dimension_numbers<[1], [0], [0], [1], [0, 0, 1, 1], [], []>, transpose_lhs_hint = false} : vector<2000x128xf32>, vector<128x16xf32>, vector<2000x16xf32> -> vector<2000x16xf32>
    %get3A_64 = arith.constant 0 : index
    %get3A_65 = arith.constant 0 : index
    %get3A_66 = vector.load %arg6[%get3A_64, %get3A_65] : memref<1x16xf32, #tpu.memory_space<vmem>>, vector<1x16xf32>
    %add3A_67 = vector.broadcast %get3A_66 : vector<1x16xf32> to vector<2000x16xf32>
    %add3A_68 = arith.addf %dot_general3A_63, %add3A_67 : vector<2000x16xf32>
    %max3A_69 = arith.constant 0.000000e+00 : f32
    %max3A_70 = vector.broadcast %max3A_69 : f32 to vector<2000x16xf32>
    %max3A_71 = arith.maximumf %add3A_68, %max3A_70 : vector<2000x16xf32>
    %get3A_72 = arith.constant 0 : index
    %get3A_73 = arith.constant 0 : index
    %get3A_74 = vector.load %arg7[%get3A_72, %get3A_73] : memref<16x8xf32, #tpu.memory_space<vmem>>, vector<16x8xf32>
    %dot_general3A_75 = arith.constant dense<0.000000e+00> : vector<2000x8xf32>
    %dot_general3A_76 = tpu.matmul %max3A_71, %get3A_74, %dot_general3A_75 {dimension_numbers = #tpu.dot_dimension_numbers<[1], [0], [0], [1], [0, 0, 1, 1], [], []>, transpose_lhs_hint = false} : vector<2000x16xf32>, vector<16x8xf32>, vector<2000x8xf32> -> vector<2000x8xf32>
    %get3A_77 = arith.constant 0 : index
    %get3A_78 = arith.constant 0 : index
    %get3A_79 = vector.load %arg8[%get3A_77, %get3A_78] : memref<1x8xf32, #tpu.memory_space<vmem>>, vector<1x8xf32>
    %add3A_80 = vector.broadcast %get3A_79 : vector<1x8xf32> to vector<2000x8xf32>
    %add3A_81 = arith.addf %dot_general3A_76, %add3A_80 : vector<2000x8xf32>
    %get3A_82 = arith.constant 2 : index
    %get3A_83 = arith.constant 0 : index
    %get3A_84 = arith.constant 0 : index
    %get3A_85 = vector.load %arg1[%get3A_82, %get3A_83, %get3A_84] : memref<4x2000x128xf32, #tpu.memory_space<vmem>>, vector<1x2000x128xf32>
    %get3A_86 = vector.shape_cast %get3A_85 : vector<1x2000x128xf32> to vector<2000x128xf32>
    %get3A_87 = arith.constant 0 : index
    %get3A_88 = arith.constant 0 : index
    %get3A_89 = vector.load %arg2[%get3A_87, %get3A_88] : memref<128x16xf32, #tpu.memory_space<vmem>>, vector<128x16xf32>
    %dot_general3A_90 = arith.constant dense<0.000000e+00> : vector<2000x16xf32>
    %dot_general3A_91 = tpu.matmul %get3A_86, %get3A_89, %dot_general3A_90 {dimension_numbers = #tpu.dot_dimension_numbers<[1], [0], [0], [1], [0, 0, 1, 1], [], []>, transpose_lhs_hint = false} : vector<2000x128xf32>, vector<128x16xf32>, vector<2000x16xf32> -> vector<2000x16xf32>
    %get3A_92 = arith.constant 0 : index
    %get3A_93 = arith.constant 0 : index
    %get3A_94 = vector.load %arg5[%get3A_92, %get3A_93] : memref<1x16xf32, #tpu.memory_space<vmem>>, vector<1x16xf32>
    %add3A_95 = vector.broadcast %get3A_94 : vector<1x16xf32> to vector<2000x16xf32>
    %add3A_96 = arith.addf %dot_general3A_91, %add3A_95 : vector<2000x16xf32>
    %get3A_97 = arith.constant 0 : index
    %get3A_98 = arith.constant 0 : index
    %get3A_99 = vector.load %arg3[%get3A_97, %get3A_98] : memref<128x16xf32, #tpu.memory_space<vmem>>, vector<128x16xf32>
    %dot_general3A_100 = arith.constant dense<0.000000e+00> : vector<2000x16xf32>
    %dot_general3A_101 = tpu.matmul %get3A_86, %get3A_99, %dot_general3A_100 {dimension_numbers = #tpu.dot_dimension_numbers<[1], [0], [0], [1], [0, 0, 1, 1], [], []>, transpose_lhs_hint = false} : vector<2000x128xf32>, vector<128x16xf32>, vector<2000x16xf32> -> vector<2000x16xf32>
    %get3A_102 = arith.constant 0 : index
    %get3A_103 = arith.constant 0 : index
    %get3A_104 = vector.load %arg4[%get3A_102, %get3A_103] : memref<128x16xf32, #tpu.memory_space<vmem>>, vector<128x16xf32>
    %dot_general3A_105 = arith.constant dense<0.000000e+00> : vector<2000x16xf32>
    %dot_general3A_106 = tpu.matmul %get3A_86, %get3A_104, %dot_general3A_105 {dimension_numbers = #tpu.dot_dimension_numbers<[1], [0], [0], [1], [0, 0, 1, 1], [], []>, transpose_lhs_hint = false} : vector<2000x128xf32>, vector<128x16xf32>, vector<2000x16xf32> -> vector<2000x16xf32>
    %get3A_107 = arith.constant 0 : index
    %get3A_108 = arith.constant 0 : index
    %get3A_109 = vector.load %arg6[%get3A_107, %get3A_108] : memref<1x16xf32, #tpu.memory_space<vmem>>, vector<1x16xf32>
    %add3A_110 = vector.broadcast %get3A_109 : vector<1x16xf32> to vector<2000x16xf32>
    %add3A_111 = arith.addf %dot_general3A_106, %add3A_110 : vector<2000x16xf32>
    %max3A_112 = arith.constant 0.000000e+00 : f32
    %max3A_113 = vector.broadcast %max3A_112 : f32 to vector<2000x16xf32>
    %max3A_114 = arith.maximumf %add3A_111, %max3A_113 : vector<2000x16xf32>
    %get3A_115 = arith.constant 0 : index
    %get3A_116 = arith.constant 0 : index
    %get3A_117 = vector.load %arg7[%get3A_115, %get3A_116] : memref<16x8xf32, #tpu.memory_space<vmem>>, vector<16x8xf32>
    %dot_general3A_118 = arith.constant dense<0.000000e+00> : vector<2000x8xf32>
    %dot_general3A_119 = tpu.matmul %max3A_114, %get3A_117, %dot_general3A_118 {dimension_numbers = #tpu.dot_dimension_numbers<[1], [0], [0], [1], [0, 0, 1, 1], [], []>, transpose_lhs_hint = false} : vector<2000x16xf32>, vector<16x8xf32>, vector<2000x8xf32> -> vector<2000x8xf32>
    %get3A_120 = arith.constant 0 : index
    %get3A_121 = arith.constant 0 : index
    %get3A_122 = vector.load %arg8[%get3A_120, %get3A_121] : memref<1x8xf32, #tpu.memory_space<vmem>>, vector<1x8xf32>
    %add3A_123 = vector.broadcast %get3A_122 : vector<1x8xf32> to vector<2000x8xf32>
    %add3A_124 = arith.addf %dot_general3A_119, %add3A_123 : vector<2000x8xf32>
    %get3A_125 = arith.constant 3 : index
    %get3A_126 = arith.constant 0 : index
    %get3A_127 = arith.constant 0 : index
    %get3A_128 = vector.load %arg1[%get3A_125, %get3A_126, %get3A_127] : memref<4x2000x128xf32, #tpu.memory_space<vmem>>, vector<1x2000x128xf32>
    %get3A_129 = vector.shape_cast %get3A_128 : vector<1x2000x128xf32> to vector<2000x128xf32>
    %get3A_130 = arith.constant 0 : index
    %get3A_131 = arith.constant 0 : index
    %get3A_132 = vector.load %arg2[%get3A_130, %get3A_131] : memref<128x16xf32, #tpu.memory_space<vmem>>, vector<128x16xf32>
    %dot_general3A_133 = arith.constant dense<0.000000e+00> : vector<2000x16xf32>
    %dot_general3A_134 = tpu.matmul %get3A_129, %get3A_132, %dot_general3A_133 {dimension_numbers = #tpu.dot_dimension_numbers<[1], [0], [0], [1], [0, 0, 1, 1], [], []>, transpose_lhs_hint = false} : vector<2000x128xf32>, vector<128x16xf32>, vector<2000x16xf32> -> vector<2000x16xf32>
    %get3A_135 = arith.constant 0 : index
    %get3A_136 = arith.constant 0 : index
    %get3A_137 = vector.load %arg5[%get3A_135, %get3A_136] : memref<1x16xf32, #tpu.memory_space<vmem>>, vector<1x16xf32>
    %add3A_138 = vector.broadcast %get3A_137 : vector<1x16xf32> to vector<2000x16xf32>
    %add3A_139 = arith.addf %dot_general3A_134, %add3A_138 : vector<2000x16xf32>
    %get3A_140 = arith.constant 0 : index
    %get3A_141 = arith.constant 0 : index
    %get3A_142 = vector.load %arg3[%get3A_140, %get3A_141] : memref<128x16xf32, #tpu.memory_space<vmem>>, vector<128x16xf32>
    %dot_general3A_143 = arith.constant dense<0.000000e+00> : vector<2000x16xf32>
    %dot_general3A_144 = tpu.matmul %get3A_129, %get3A_142, %dot_general3A_143 {dimension_numbers = #tpu.dot_dimension_numbers<[1], [0], [0], [1], [0, 0, 1, 1], [], []>, transpose_lhs_hint = false} : vector<2000x128xf32>, vector<128x16xf32>, vector<2000x16xf32> -> vector<2000x16xf32>
    %get3A_145 = arith.constant 0 : index
    %get3A_146 = arith.constant 0 : index
    %get3A_147 = vector.load %arg4[%get3A_145, %get3A_146] : memref<128x16xf32, #tpu.memory_space<vmem>>, vector<128x16xf32>
    %dot_general3A_148 = arith.constant dense<0.000000e+00> : vector<2000x16xf32>
    %dot_general3A_149 = tpu.matmul %get3A_129, %get3A_147, %dot_general3A_148 {dimension_numbers = #tpu.dot_dimension_numbers<[1], [0], [0], [1], [0, 0, 1, 1], [], []>, transpose_lhs_hint = false} : vector<2000x128xf32>, vector<128x16xf32>, vector<2000x16xf32> -> vector<2000x16xf32>
    %get3A_150 = arith.constant 0 : index
    %get3A_151 = arith.constant 0 : index
    %get3A_152 = vector.load %arg6[%get3A_150, %get3A_151] : memref<1x16xf32, #tpu.memory_space<vmem>>, vector<1x16xf32>
    %add3A_153 = vector.broadcast %get3A_152 : vector<1x16xf32> to vector<2000x16xf32>
    %add3A_154 = arith.addf %dot_general3A_149, %add3A_153 : vector<2000x16xf32>
    %max3A_155 = arith.constant 0.000000e+00 : f32
    %max3A_156 = vector.broadcast %max3A_155 : f32 to vector<2000x16xf32>
    %max3A_157 = arith.maximumf %add3A_154, %max3A_156 : vector<2000x16xf32>
    %get3A_158 = arith.constant 0 : index
    %get3A_159 = arith.constant 0 : index
    %get3A_160 = vector.load %arg7[%get3A_158, %get3A_159] : memref<16x8xf32, #tpu.memory_space<vmem>>, vector<16x8xf32>
    %dot_general3A_161 = arith.constant dense<0.000000e+00> : vector<2000x8xf32>
    %dot_general3A_162 = tpu.matmul %max3A_157, %get3A_160, %dot_general3A_161 {dimension_numbers = #tpu.dot_dimension_numbers<[1], [0], [0], [1], [0, 0, 1, 1], [], []>, transpose_lhs_hint = false} : vector<2000x16xf32>, vector<16x8xf32>, vector<2000x8xf32> -> vector<2000x8xf32>
    %get3A_163 = arith.constant 0 : index
    %get3A_164 = arith.constant 0 : index
    %get3A_165 = vector.load %arg8[%get3A_163, %get3A_164] : memref<1x8xf32, #tpu.memory_space<vmem>>, vector<1x8xf32>
    %add3A_166 = vector.broadcast %get3A_165 : vector<1x8xf32> to vector<2000x8xf32>
    %add3A_167 = arith.addf %dot_general3A_162, %add3A_166 : vector<2000x8xf32>
    %concatenate3A = tpu.concatenate %add3A_11, %add3A_53, %add3A_96, %add3A_139 in 1 : vector<2000x16xf32>, vector<2000x16xf32>, vector<2000x16xf32>, vector<2000x16xf32> -> vector<2000x64xf32>
    %swap3A = arith.constant 0 : index
    %swap3A_168 = arith.constant 0 : index
    %swap3A_169 = vector.load %arg9[%swap3A, %swap3A_168] : memref<2000x64xf32, #tpu.memory_space<vmem>>, vector<2000x64xf32>
    tpu.vector_store %arg9[%swap3A, %swap3A_168], %concatenate3A {strides = array<i32>} : memref<2000x64xf32, #tpu.memory_space<vmem>>, vector<2000x64xf32>,
    %concatenate3A_170 = tpu.concatenate %dot_general3A_16, %dot_general3A_58, %dot_general3A_101, %dot_general3A_144 in 1 : vector<2000x16xf32>, vector<2000x16xf32>, vector<2000x16xf32>, vector<2000x16xf32> -> vector<2000x64xf32>
    %swap3A_171 = arith.constant 0 : index
    %swap3A_172 = arith.constant 0 : index
    %swap3A_173 = vector.load %arg10[%swap3A_171, %swap3A_172] : memref<2000x64xf32, #tpu.memory_space<vmem>>, vector<2000x64xf32>
    tpu.vector_store %arg10[%swap3A_171, %swap3A_172], %concatenate3A_170 {strides = array<i32>} : memref<2000x64xf32, #tpu.memory_space<vmem>>, vector<2000x64xf32>,
    %concatenate3A_174 = tpu.concatenate %add3A_38, %add3A_81, %add3A_124, %add3A_167 in 1 : vector<2000x8xf32>, vector<2000x8xf32>, vector<2000x8xf32>, vector<2000x8xf32> -> vector<2000x32xf32>
    %swap3A_175 = arith.constant 0 : index
    %swap3A_176 = arith.constant 0 : index
    %swap3A_177 = vector.load %arg11[%swap3A_175, %swap3A_176] : memref<2000x32xf32, #tpu.memory_space<vmem>>, vector<2000x32xf32>
    tpu.vector_store %arg11[%swap3A_175, %swap3A_176], %concatenate3A_174 {strides = array<i32>} : memref<2000x32xf32, #tpu.memory_space<vmem>>, vector<2000x32xf32>,
    return
  }
  func.func @transform_0(%arg0: i32) -> (i32, i32, i32) {
    %c0_i32 = arith.constant 0 : i32
    %c0_i32_0 = arith.constant 0 : i32
    %c0_i32_1 = arith.constant 0 : i32
    return %c0_i32, %arg0, %c0_i32_0 : i32, i32, i32
  }
  func.func @transform_1(%arg0: i32) -> (i32, i32) {
    %c0_i32 = arith.constant 0 : i32
    %c0_i32_0 = arith.constant 0 : i32
    %c0_i32_1 = arith.constant 0 : i32
    return %c0_i32, %c0_i32_0 : i32, i32
  }
  func.func @transform_2(%arg0: i32) -> (i32, i32) {
    %c0_i32 = arith.constant 0 : i32
    %c0_i32_0 = arith.constant 0 : i32
    %c0_i32_1 = arith.constant 0 : i32
    return %c0_i32, %c0_i32_0 : i32, i32
  }
  func.func @transform_3(%arg0: i32) -> (i32, i32) {
    %c0_i32 = arith.constant 0 : i32
    %c0_i32_0 = arith.constant 0 : i32
    %c0_i32_1 = arith.constant 0 : i32
    return %c0_i32, %c0_i32_0 : i32, i32
  }
  func.func @transform_4(%arg0: i32) -> (i32, i32) {
    %c0_i32 = arith.constant 0 : i32
    %c0_i32_0 = arith.constant 0 : i32
    %c0_i32_1 = arith.constant 0 : i32
    return %c0_i32, %c0_i32_0 : i32, i32
  }
  func.func @transform_5(%arg0: i32) -> (i32, i32) {
    %c0_i32 = arith.constant 0 : i32
    %c0_i32_0 = arith.constant 0 : i32
    %c0_i32_1 = arith.constant 0 : i32
    return %c0_i32, %c0_i32_0 : i32, i32
  }
  func.func @transform_6(%arg0: i32) -> (i32, i32) {
    %c0_i32 = arith.constant 0 : i32
    %c0_i32_0 = arith.constant 0 : i32
    %c0_i32_1 = arith.constant 0 : i32
    return %c0_i32, %c0_i32_0 : i32, i32
  }
  func.func @transform_7(%arg0: i32) -> (i32, i32) {
    %c0_i32 = arith.constant 0 : i32
    %c0_i32_0 = arith.constant 0 : i32
    %c0_i32_1 = arith.constant 0 : i32
    return %c0_i32, %c0_i32_0 : i32, i32
  }
  func.func @transform_8(%arg0: i32) -> (i32, i32) {
    %c0_i32 = arith.constant 0 : i32
    %c0_i32_0 = arith.constant 0 : i32
    return %arg0, %c0_i32 : i32, i32
  }
  func.func @transform_9(%arg0: i32) -> (i32, i32) {
    %c0_i32 = arith.constant 0 : i32
    %c0_i32_0 = arith.constant 0 : i32
    return %arg0, %c0_i32 : i32, i32
  }
  func.func @transform_10(%arg0: i32) -> (i32, i32) {
    %c0_i32 = arith.constant 0 : i32
    %c0_i32_0 = arith.constant 0 : i32
    return %arg0, %c0_i32 : i32, i32
  }
}

module attributes {stable_mosaic.version = 14 : i64} {
  func.func @_tc_recon_body(%arg0: i32, %arg1: memref<2000x32xf32, #tpu.memory_space<vmem>>, %arg2: memref<2x2000x80xf32, #tpu.memory_space<vmem>>, %arg3: memref<16x8xf32, #tpu.memory_space<vmem>>, %arg4: memref<1x8xf32, #tpu.memory_space<vmem>>, %arg5: memref<8x128xf32, #tpu.memory_space<vmem>>, %arg6: memref<1x128xf32, #tpu.memory_space<vmem>>, %arg7: memref<4x2000x128xf32, #tpu.memory_space<vmem>>) attributes {dimension_semantics = [#tpu.dimension_semantics<arbitrary>], iteration_bounds = array<i64: 5>, scalar_prefetch = 0 : i64, scratch_operands = 0 : i64, tpu.core_type = #tpu.core_type<tc>, window_params = [{transform_indices = @transform_0, window_bounds = array<i64: 2000, 32>}, {transform_indices = @transform_1, window_bounds = array<i64: 2, 2000, 80>}, {pipeline_mode = #tpu.pipeline_mode<synchronous>, transform_indices = @transform_2, window_bounds = array<i64: 16, 8>}, {pipeline_mode = #tpu.pipeline_mode<synchronous>, transform_indices = @transform_3, window_bounds = array<i64: 1, 8>}, {pipeline_mode = #tpu.pipeline_mode<synchronous>, transform_indices = @transform_4, window_bounds = array<i64: 8, 128>}, {pipeline_mode = #tpu.pipeline_mode<synchronous>, transform_indices = @transform_5, window_bounds = array<i64: 1, 128>}, {transform_indices = @transform_6, window_bounds = array<i64: 4, 2000, 128>}]} {
    %get3A = arith.constant 0 : index
    %get3A_0 = arith.constant 0 : index
    %get3A_1 = vector.load %arg3[%get3A, %get3A_0] : memref<16x8xf32, #tpu.memory_space<vmem>>, vector<16x8xf32>
    %get3A_2 = arith.constant 0 : index
    %get3A_3 = arith.constant 0 : index
    %get3A_4 = vector.load %arg5[%get3A_2, %get3A_3] : memref<8x128xf32, #tpu.memory_space<vmem>>, vector<8x128xf32>
    %dot_general3A = arith.constant dense<0.000000e+00> : vector<16x128xf32>
    %dot_general3A_5 = tpu.matmul %get3A_1, %get3A_4, %dot_general3A {dimension_numbers = #tpu.dot_dimension_numbers<[1], [0], [0], [1], [0, 0, 1, 1], [], []>, transpose_lhs_hint = false} : vector<16x8xf32>, vector<8x128xf32>, vector<16x128xf32> -> vector<16x128xf32>
    %get3A_6 = arith.constant 0 : index
    %get3A_7 = arith.constant 0 : index
    %get3A_8 = vector.load %arg4[%get3A_6, %get3A_7] : memref<1x8xf32, #tpu.memory_space<vmem>>, vector<1x8xf32>
    %get3A_9 = arith.constant 0 : index
    %get3A_10 = arith.constant 0 : index
    %get3A_11 = vector.load %arg5[%get3A_9, %get3A_10] : memref<8x128xf32, #tpu.memory_space<vmem>>, vector<8x128xf32>
    %dot_general3A_12 = arith.constant dense<0.000000e+00> : vector<1x128xf32>
    %dot_general3A_13 = tpu.matmul %get3A_8, %get3A_11, %dot_general3A_12 {dimension_numbers = #tpu.dot_dimension_numbers<[1], [0], [0], [1], [0, 0, 1, 1], [], []>, transpose_lhs_hint = false} : vector<1x8xf32>, vector<8x128xf32>, vector<1x128xf32> -> vector<1x128xf32>
    %get3A_14 = arith.constant 0 : index
    %get3A_15 = arith.constant 0 : index
    %get3A_16 = arith.constant 0 : index
    %get3A_17 = vector.load %arg2[%get3A_14, %get3A_15, %get3A_16] : memref<2x2000x80xf32, #tpu.memory_space<vmem>>, vector<1x2000x80xf32>
    %get3A_18 = vector.shape_cast %get3A_17 : vector<1x2000x80xf32> to vector<2000x80xf32>
    %get3A_19 = arith.constant 1 : index
    %get3A_20 = arith.constant 0 : index
    %get3A_21 = arith.constant 0 : index
    %get3A_22 = vector.load %arg2[%get3A_19, %get3A_20, %get3A_21] : memref<2x2000x80xf32, #tpu.memory_space<vmem>>, vector<1x2000x80xf32>
    %get3A_23 = vector.shape_cast %get3A_22 : vector<1x2000x80xf32> to vector<2000x80xf32>
    %add3A = arith.addf %get3A_18, %get3A_23 : vector<2000x80xf32>
    %slice3A = vector.extract_strided_slice %add3A {offsets = [0, 64], sizes = [2000, 1], strides = [1, 1]} : vector<2000x80xf32> to vector<2000x1xf32>
    %dot_general3A_24 = arith.constant dense<0.000000e+00> : vector<2000x128xf32>
    %dot_general3A_25 = tpu.matmul %slice3A, %dot_general3A_13, %dot_general3A_24 {dimension_numbers = #tpu.dot_dimension_numbers<[1], [0], [0], [1], [0, 0, 1, 1], [], []>, transpose_lhs_hint = false} : vector<2000x1xf32>, vector<1x128xf32>, vector<2000x128xf32> -> vector<2000x128xf32>
    %slice3A_26 = vector.extract_strided_slice %add3A {offsets = [0, 0], sizes = [2000, 16], strides = [1, 1]} : vector<2000x80xf32> to vector<2000x16xf32>
    %get3A_27 = arith.constant 0 : index
    %get3A_28 = arith.constant 0 : index
    %get3A_29 = vector.load %arg1[%get3A_27, %get3A_28] : memref<2000x32xf32, #tpu.memory_space<vmem>>, vector<2000x8xf32>
    %get3A_30 = arith.constant 0 : index
    %get3A_31 = arith.constant 0 : index
    %get3A_32 = vector.load %arg5[%get3A_30, %get3A_31] : memref<8x128xf32, #tpu.memory_space<vmem>>, vector<8x128xf32>
    %dot_general3A_33 = arith.constant dense<0.000000e+00> : vector<2000x128xf32>
    %dot_general3A_34 = tpu.matmul %get3A_29, %get3A_32, %dot_general3A_33 {dimension_numbers = #tpu.dot_dimension_numbers<[1], [0], [0], [1], [0, 0, 1, 1], [], []>, transpose_lhs_hint = false} : vector<2000x8xf32>, vector<8x128xf32>, vector<2000x128xf32> -> vector<2000x128xf32>
    %dot_general3A_35 = arith.constant dense<0.000000e+00> : vector<2000x128xf32>
    %dot_general3A_36 = tpu.matmul %slice3A_26, %dot_general3A_5, %dot_general3A_35 {dimension_numbers = #tpu.dot_dimension_numbers<[1], [0], [0], [1], [0, 0, 1, 1], [], []>, transpose_lhs_hint = false} : vector<2000x16xf32>, vector<16x128xf32>, vector<2000x128xf32> -> vector<2000x128xf32>
    %add3A_37 = arith.addf %dot_general3A_34, %dot_general3A_36 : vector<2000x128xf32>
    %add3A_38 = arith.addf %add3A_37, %dot_general3A_25 : vector<2000x128xf32>
    %get3A_39 = arith.constant 0 : index
    %get3A_40 = arith.constant 0 : index
    %get3A_41 = vector.load %arg6[%get3A_39, %get3A_40] : memref<1x128xf32, #tpu.memory_space<vmem>>, vector<1x128xf32>
    %add3A_42 = vector.broadcast %get3A_41 : vector<1x128xf32> to vector<2000x128xf32>
    %add3A_43 = arith.addf %add3A_38, %add3A_42 : vector<2000x128xf32>
    %swap3A = arith.constant 0 : index
    %swap3A_44 = arith.constant 0 : index
    %swap3A_45 = arith.constant 0 : index
    %swap3A_46 = vector.load %arg7[%swap3A, %swap3A_44, %swap3A_45] : memref<4x2000x128xf32, #tpu.memory_space<vmem>>, vector<1x2000x128xf32>
    %swap3A_47 = vector.shape_cast %swap3A_46 : vector<1x2000x128xf32> to vector<2000x128xf32>
    %swap3A_48 = vector.shape_cast %add3A_43 : vector<2000x128xf32> to vector<1x2000x128xf32>
    tpu.vector_store %arg7[%swap3A, %swap3A_44, %swap3A_45], %swap3A_48 {strides = array<i32>} : memref<4x2000x128xf32, #tpu.memory_space<vmem>>, vector<1x2000x128xf32>,
    %slice3A_49 = vector.extract_strided_slice %add3A {offsets = [0, 16], sizes = [2000, 16], strides = [1, 1]} : vector<2000x80xf32> to vector<2000x16xf32>
    %get3A_50 = arith.constant 0 : index
    %get3A_51 = arith.constant 8 : index
    %get3A_52 = vector.load %arg1[%get3A_50, %get3A_51] : memref<2000x32xf32, #tpu.memory_space<vmem>>, vector<2000x8xf32>
    %get3A_53 = arith.constant 0 : index
    %get3A_54 = arith.constant 0 : index
    %get3A_55 = vector.load %arg5[%get3A_53, %get3A_54] : memref<8x128xf32, #tpu.memory_space<vmem>>, vector<8x128xf32>
    %dot_general3A_56 = arith.constant dense<0.000000e+00> : vector<2000x128xf32>
    %dot_general3A_57 = tpu.matmul %get3A_52, %get3A_55, %dot_general3A_56 {dimension_numbers = #tpu.dot_dimension_numbers<[1], [0], [0], [1], [0, 0, 1, 1], [], []>, transpose_lhs_hint = false} : vector<2000x8xf32>, vector<8x128xf32>, vector<2000x128xf32> -> vector<2000x128xf32>
    %dot_general3A_58 = arith.constant dense<0.000000e+00> : vector<2000x128xf32>
    %dot_general3A_59 = tpu.matmul %slice3A_49, %dot_general3A_5, %dot_general3A_58 {dimension_numbers = #tpu.dot_dimension_numbers<[1], [0], [0], [1], [0, 0, 1, 1], [], []>, transpose_lhs_hint = false} : vector<2000x16xf32>, vector<16x128xf32>, vector<2000x128xf32> -> vector<2000x128xf32>
    %add3A_60 = arith.addf %dot_general3A_57, %dot_general3A_59 : vector<2000x128xf32>
    %add3A_61 = arith.addf %add3A_60, %dot_general3A_25 : vector<2000x128xf32>
    %get3A_62 = arith.constant 0 : index
    %get3A_63 = arith.constant 0 : index
    %get3A_64 = vector.load %arg6[%get3A_62, %get3A_63] : memref<1x128xf32, #tpu.memory_space<vmem>>, vector<1x128xf32>
    %add3A_65 = vector.broadcast %get3A_64 : vector<1x128xf32> to vector<2000x128xf32>
    %add3A_66 = arith.addf %add3A_61, %add3A_65 : vector<2000x128xf32>
    %swap3A_67 = arith.constant 1 : index
    %swap3A_68 = arith.constant 0 : index
    %swap3A_69 = arith.constant 0 : index
    %swap3A_70 = vector.load %arg7[%swap3A_67, %swap3A_68, %swap3A_69] : memref<4x2000x128xf32, #tpu.memory_space<vmem>>, vector<1x2000x128xf32>
    %swap3A_71 = vector.shape_cast %swap3A_70 : vector<1x2000x128xf32> to vector<2000x128xf32>
    %swap3A_72 = vector.shape_cast %add3A_66 : vector<2000x128xf32> to vector<1x2000x128xf32>
    tpu.vector_store %arg7[%swap3A_67, %swap3A_68, %swap3A_69], %swap3A_72 {strides = array<i32>} : memref<4x2000x128xf32, #tpu.memory_space<vmem>>, vector<1x2000x128xf32>,
    %slice3A_73 = vector.extract_strided_slice %add3A {offsets = [0, 32], sizes = [2000, 16], strides = [1, 1]} : vector<2000x80xf32> to vector<2000x16xf32>
    %get3A_74 = arith.constant 0 : index
    %get3A_75 = arith.constant 16 : index
    %get3A_76 = vector.load %arg1[%get3A_74, %get3A_75] : memref<2000x32xf32, #tpu.memory_space<vmem>>, vector<2000x8xf32>
    %get3A_77 = arith.constant 0 : index
    %get3A_78 = arith.constant 0 : index
    %get3A_79 = vector.load %arg5[%get3A_77, %get3A_78] : memref<8x128xf32, #tpu.memory_space<vmem>>, vector<8x128xf32>
    %dot_general3A_80 = arith.constant dense<0.000000e+00> : vector<2000x128xf32>
    %dot_general3A_81 = tpu.matmul %get3A_76, %get3A_79, %dot_general3A_80 {dimension_numbers = #tpu.dot_dimension_numbers<[1], [0], [0], [1], [0, 0, 1, 1], [], []>, transpose_lhs_hint = false} : vector<2000x8xf32>, vector<8x128xf32>, vector<2000x128xf32> -> vector<2000x128xf32>
    %dot_general3A_82 = arith.constant dense<0.000000e+00> : vector<2000x128xf32>
    %dot_general3A_83 = tpu.matmul %slice3A_73, %dot_general3A_5, %dot_general3A_82 {dimension_numbers = #tpu.dot_dimension_numbers<[1], [0], [0], [1], [0, 0, 1, 1], [], []>, transpose_lhs_hint = false} : vector<2000x16xf32>, vector<16x128xf32>, vector<2000x128xf32> -> vector<2000x128xf32>
    %add3A_84 = arith.addf %dot_general3A_81, %dot_general3A_83 : vector<2000x128xf32>
    %add3A_85 = arith.addf %add3A_84, %dot_general3A_25 : vector<2000x128xf32>
    %get3A_86 = arith.constant 0 : index
    %get3A_87 = arith.constant 0 : index
    %get3A_88 = vector.load %arg6[%get3A_86, %get3A_87] : memref<1x128xf32, #tpu.memory_space<vmem>>, vector<1x128xf32>
    %add3A_89 = vector.broadcast %get3A_88 : vector<1x128xf32> to vector<2000x128xf32>
    %add3A_90 = arith.addf %add3A_85, %add3A_89 : vector<2000x128xf32>
    %swap3A_91 = arith.constant 2 : index
    %swap3A_92 = arith.constant 0 : index
    %swap3A_93 = arith.constant 0 : index
    %swap3A_94 = vector.load %arg7[%swap3A_91, %swap3A_92, %swap3A_93] : memref<4x2000x128xf32, #tpu.memory_space<vmem>>, vector<1x2000x128xf32>
    %swap3A_95 = vector.shape_cast %swap3A_94 : vector<1x2000x128xf32> to vector<2000x128xf32>
    %swap3A_96 = vector.shape_cast %add3A_90 : vector<2000x128xf32> to vector<1x2000x128xf32>
    tpu.vector_store %arg7[%swap3A_91, %swap3A_92, %swap3A_93], %swap3A_96 {strides = array<i32>} : memref<4x2000x128xf32, #tpu.memory_space<vmem>>, vector<1x2000x128xf32>,
    %slice3A_97 = vector.extract_strided_slice %add3A {offsets = [0, 48], sizes = [2000, 16], strides = [1, 1]} : vector<2000x80xf32> to vector<2000x16xf32>
    %get3A_98 = arith.constant 0 : index
    %get3A_99 = arith.constant 24 : index
    %get3A_100 = vector.load %arg1[%get3A_98, %get3A_99] : memref<2000x32xf32, #tpu.memory_space<vmem>>, vector<2000x8xf32>
    %get3A_101 = arith.constant 0 : index
    %get3A_102 = arith.constant 0 : index
    %get3A_103 = vector.load %arg5[%get3A_101, %get3A_102] : memref<8x128xf32, #tpu.memory_space<vmem>>, vector<8x128xf32>
    %dot_general3A_104 = arith.constant dense<0.000000e+00> : vector<2000x128xf32>
    %dot_general3A_105 = tpu.matmul %get3A_100, %get3A_103, %dot_general3A_104 {dimension_numbers = #tpu.dot_dimension_numbers<[1], [0], [0], [1], [0, 0, 1, 1], [], []>, transpose_lhs_hint = false} : vector<2000x8xf32>, vector<8x128xf32>, vector<2000x128xf32> -> vector<2000x128xf32>
    %dot_general3A_106 = arith.constant dense<0.000000e+00> : vector<2000x128xf32>
    %dot_general3A_107 = tpu.matmul %slice3A_97, %dot_general3A_5, %dot_general3A_106 {dimension_numbers = #tpu.dot_dimension_numbers<[1], [0], [0], [1], [0, 0, 1, 1], [], []>, transpose_lhs_hint = false} : vector<2000x16xf32>, vector<16x128xf32>, vector<2000x128xf32> -> vector<2000x128xf32>
    %add3A_108 = arith.addf %dot_general3A_105, %dot_general3A_107 : vector<2000x128xf32>
    %add3A_109 = arith.addf %add3A_108, %dot_general3A_25 : vector<2000x128xf32>
    %get3A_110 = arith.constant 0 : index
    %get3A_111 = arith.constant 0 : index
    %get3A_112 = vector.load %arg6[%get3A_110, %get3A_111] : memref<1x128xf32, #tpu.memory_space<vmem>>, vector<1x128xf32>
    %add3A_113 = vector.broadcast %get3A_112 : vector<1x128xf32> to vector<2000x128xf32>
    %add3A_114 = arith.addf %add3A_109, %add3A_113 : vector<2000x128xf32>
    %swap3A_115 = arith.constant 3 : index
    %swap3A_116 = arith.constant 0 : index
    %swap3A_117 = arith.constant 0 : index
    %swap3A_118 = vector.load %arg7[%swap3A_115, %swap3A_116, %swap3A_117] : memref<4x2000x128xf32, #tpu.memory_space<vmem>>, vector<1x2000x128xf32>
    %swap3A_119 = vector.shape_cast %swap3A_118 : vector<1x2000x128xf32> to vector<2000x128xf32>
    %swap3A_120 = vector.shape_cast %add3A_114 : vector<2000x128xf32> to vector<1x2000x128xf32>
    tpu.vector_store %arg7[%swap3A_115, %swap3A_116, %swap3A_117], %swap3A_120 {strides = array<i32>} : memref<4x2000x128xf32, #tpu.memory_space<vmem>>, vector<1x2000x128xf32>,
    return
  }
  func.func @transform_0(%arg0: i32) -> (i32, i32) {
    %c0_i32 = arith.constant 0 : i32
    %c0_i32_0 = arith.constant 0 : i32
    return %arg0, %c0_i32 : i32, i32
  }
  func.func @transform_1(%arg0: i32) -> (i32, i32, i32) {
    %c0_i32 = arith.constant 0 : i32
    %c0_i32_0 = arith.constant 0 : i32
    %c0_i32_1 = arith.constant 0 : i32
    return %c0_i32, %arg0, %c0_i32_0 : i32, i32, i32
  }
  func.func @transform_2(%arg0: i32) -> (i32, i32) {
    %c0_i32 = arith.constant 0 : i32
    %c0_i32_0 = arith.constant 0 : i32
    %c0_i32_1 = arith.constant 0 : i32
    return %c0_i32, %c0_i32_0 : i32, i32
  }
  func.func @transform_3(%arg0: i32) -> (i32, i32) {
    %c0_i32 = arith.constant 0 : i32
    %c0_i32_0 = arith.constant 0 : i32
    %c0_i32_1 = arith.constant 0 : i32
    return %c0_i32, %c0_i32_0 : i32, i32
  }
  func.func @transform_4(%arg0: i32) -> (i32, i32) {
    %c0_i32 = arith.constant 0 : i32
    %c0_i32_0 = arith.constant 0 : i32
    %c0_i32_1 = arith.constant 0 : i32
    return %c0_i32, %c0_i32_0 : i32, i32
  }
  func.func @transform_5(%arg0: i32) -> (i32, i32) {
    %c0_i32 = arith.constant 0 : i32
    %c0_i32_0 = arith.constant 0 : i32
    %c0_i32_1 = arith.constant 0 : i32
    return %c0_i32, %c0_i32_0 : i32, i32
  }
  func.func @transform_6(%arg0: i32) -> (i32, i32, i32) {
    %c0_i32 = arith.constant 0 : i32
    %c0_i32_0 = arith.constant 0 : i32
    %c0_i32_1 = arith.constant 0 : i32
    return %c0_i32, %arg0, %c0_i32_0 : i32, i32, i32
  }
}

</mosaic_0001>

<sc_bundles>
// kernel: kernel.5.cloned.1.call-start
scs
__scs_entry_jumppad:
0x0: {  	(pc) =	sbr.rel $0x88, $3  }
0x1: {  	(tag) =	ssettag $0x0;
	lr =	simm.s32 $0x1  }
0x2: {  	[smem:$0x3F95] =	sst lr;
	_ =	strace $0xD0000000  }
0x3: {  	_ = 	snop  }
0x4: {  	_ = 	snop  }
0x5: {  	_ = 	snop  }
0x6: {  	_ = 	snop  }
0x7: {  	_ = 	snop  }
__scs_overlays_trampoline_lowered:
0x8: {  	[smem:$0x3FA4] =	sst s0  }
0x9: {  	[smem:$0x3FA5] =	sst s1  }
0xa: {  	[smem:$0x3FA6] =	sst s2  }
0xb: {  	[smem:$0x3FA7] =	sst s3  }
0xc: {  	[smem:$0x3FA8] =	sst s4  }
0xd: {  	[smem:$0x3FA9] =	sst s5  }
0xe: {  	[smem:$0x3FAA] =	sst s6  }
0xf: {  	[smem:$0x3FAB] =	sst s7  }
0x10: {  	[smem:$0x3FAC] =	sst s8  }
0x11: {  	[smem:$0x3FAD] =	sst s9;
	s0 =	simm.s32 @!p0 $0x0  }
0x12: {  	s1 =	sld [smem:$0x3F93];
	s0 =	simm.s32 @p0 $0x1  }
0x13: {  	[smem:$0x3FAE] =	sst s0;
	s0 =	simm.s32 @!p1 $0x0  }
0x14: {  	s2 =	sld [smem:$0x3F92];
	s0 =	simm.s32 @p1 $0x1  }
0x15: {  	[smem:$0x3FAF] =	sst s0;
	s0 =	simm.s32 @!p2 $0x0  }
0x16: {  	s3 =	sld [smem:$0x3FDB];
	s0 =	simm.s32 @p2 $0x1  }
0x17: {  	s4 =	simm.s32 $0x1BF5;
	[smem:$0x3FB1] =	sst s0  }
0x18: {  	s0 =	sld [smem:$0x3F94];
	_ =	swait.ge [sflag:s4], $0x0  }
0x19: {  	s7 =	sld [smem:$0x3F95]  }
0x1a: {  	s8 =	sadd.s32 $0xFFFFE003, lr  }
0x1b: {  	s9 =	sadd.s32 $0xFFFFFEF7, lr;
	s5 =	simm.s32 $0xFFFFFFFF;
	p2 =	slt.u32 s8, $0xFFFFF086  }
0x1c: {  	p1 =	slt.u32 s9, $0xF7A;
	s5 =	simm.s32 @!p2 $0x0  }
0x1d: {  	s5 =	simm.s32 @p1 $0x1;
	p0 =	seq.s32 s7, s2  }
0x1e: {  	s7 =	smul.u32 @!p0 $0xF7A, s2;
	p2 =	seq.s32 @!p0 s5, $0x0  }
0x1f: {  	s9 =	smul.u32 $0xF7A, s1;
	s8 =	simm.s32 @!p0 $0x1BF5;
	p2 =	por !p2, p0  }
0x20: {  	[sflag:s8] =	ssyncset.s32 @!p0 $0xFFFFF086;
	s6 =	sadd.s32 @!p0 s3, s7;
	s7 =	simm.s32 @!p0 $0x108  }
0x21: {  	s3 =	sadd.s32 s3, s9;
	s6 =	sadd.s32 @!p0 $0x88, s6;
	s7 =	simm.s32 @p2 $0x1082  }
0x22: {  	[simem:s7], [sflag:s8] =	dma.local @!p0 [hbm:s6], $0xF7A  }
0x23: {  	s9 =	sor.u32 $0xD0000000, s2;
	s6 =	simm.s32 $0x108;
	_ =	swait.ge @!p0 [sflag:s8], $0x0  }
0x24: {  	s3 =	sadd.s32 $0x88, s3;
	s6 =	simm.s32 @!p1 $0x1082;
	[sflag:s4] =	ssyncset.s32 $0xFFFFF086  }
0x25: {  	[simem:s6], [sflag:s4] =	dma.local [hbm:s3], $0xF7A  }
0x26: {  	[smem:$0x3F95] =	sst s1;
	(tag) =	ssettag s2;
	_ =	strace s9  }
0x27: {  	s1 =	sld [smem:$0x3FA5]  }
0x28: {  	s2 =	sld [smem:$0x3FA6]  }
0x29: {  	s4 =	sld [smem:$0x3FA8]  }
0x2a: {  	p0 =	seq.s32 s5, $0x0;
	s5 =	sld [smem:$0x3FA9]  }
0x2b: {  	s6 =	sld [smem:$0x3FAA]  }
0x2c: {  	s7 =	sld [smem:$0x3FAB]  }
0x2d: {  	s3 =	simm.s32 $0x108;
	s8 =	sld [smem:$0x3FAC]  }
0x2e: {  	s3 =	simm.s32 @!p0 $0x1082;
	s9 =	sld [smem:$0x3FAD]  }
0x2f: {  	lr =	sadd.s32 s0, s3;
	s0 =	sld [smem:$0x3FA4]  }
0x30: {  	s3 =	sld [smem:$0x3FA7]  }
0x31: {  	[smem:$0x3FB0] =	sst s10  }
0x32: {  	s10 =	sld [smem:$0x3FAE];
	_ =	sdelay $0x3  }
0x33: {  	p0 =	seq.s32 s10, $0x1;
	s10 =	sld [smem:$0x3FB0];
	_ =	sdelay $0x3  }
0x34: {  	[smem:$0x3FB0] =	sst s10  }
0x35: {  	s10 =	sld [smem:$0x3FAF];
	_ =	sdelay $0x3  }
0x36: {  	p1 =	seq.s32 s10, $0x1;
	s10 =	sld [smem:$0x3FB0];
	_ =	sdelay $0x3  }
0x37: {  	[smem:$0x3FB0] =	sst s10  }
0x38: {  	s10 =	sld [smem:$0x3FB1]  }
0x39: {  	_ = 	snop;
	(pc) =	sbr.ind lr, $3  }
0x3a: {  	_ = 	snop  }
0x3b: {  	_ = 	snop  }
0x3c: {  	p2 =	seq.s32 s10, $0x1;
	s10 =	sld [smem:$0x3FB0]  }
0x3d: {  	_ =	shalt  }
0x3e: {  	_ =	shalt  }
0x3f: {  	_ =	shalt  }
0x40: {  	_ =	shalt  }
0x41: {  	_ =	shalt  }
0x42: {  	_ =	shalt  }
0x43: {  	_ =	shalt  }
0x44: {  	_ =	shalt  }
0x45: {  	_ =	shalt  }
0x46: {  	_ =	shalt  }
0x47: {  	_ =	shalt  }
0x48: {  	_ =	shalt  }
0x49: {  	_ =	shalt  }
0x4a: {  	_ =	shalt  }
0x4b: {  	_ =	shalt  }
0x4c: {  	_ =	shalt  }
0x4d: {  	_ =	shalt  }
0x4e: {  	_ =	shalt  }
0x4f: {  	_ =	shalt  }
0x50: {  	_ =	shalt  }
0x51: {  	_ =	shalt  }
0x52: {  	_ =	shalt  }
0x53: {  	_ =	shalt  }
0x54: {  	_ =	shalt  }
0x55: {  	_ =	shalt  }
0x56: {  	_ =	shalt  }
0x57: {  	_ =	shalt  }
0x58: {  	_ =	shalt  }
0x59: {  	_ =	shalt  }
0x5a: {  	_ =	shalt  }
0x5b: {  	_ =	shalt  }
0x5c: {  	_ =	shalt  }
0x5d: {  	_ =	shalt  }
0x5e: {  	_ =	shalt  }
0x5f: {  	_ =	shalt  }
0x60: {  	_ =	shalt  }
0x61: {  	_ =	shalt  }
0x62: {  	_ =	shalt  }
0x63: {  	_ =	shalt  }
0x64: {  	_ =	shalt  }
0x65: {  	_ =	shalt  }
0x66: {  	_ =	shalt  }
0x67: {  	_ =	shalt  }
0x68: {  	_ =	shalt  }
0x69: {  	_ =	shalt  }
0x6a: {  	_ =	shalt  }
0x6b: {  	_ =	shalt  }
0x6c: {  	_ =	shalt  }
0x6d: {  	_ =	shalt  }
0x6e: {  	_ =	shalt  }
0x6f: {  	_ =	shalt  }
0x70: {  	_ =	shalt  }
0x71: {  	_ =	shalt  }
0x72: {  	_ =	shalt  }
0x73: {  	_ =	shalt  }
0x74: {  	_ =	shalt  }
0x75: {  	_ =	shalt  }
0x76: {  	_ =	shalt  }
0x77: {  	_ =	shalt  }
0x78: {  	_ =	shalt  }
0x79: {  	_ =	shalt  }
0x7a: {  	_ =	shalt  }
0x7b: {  	_ =	shalt  }
0x7c: {  	_ =	shalt  }
0x7d: {  	_ =	shalt  }
0x7e: {  	_ =	shalt  }
0x7f: {  	_ =	shalt  }
0x80: {  	_ =	shalt  }
0x81: {  	_ =	shalt  }
0x82: {  	_ =	shalt  }
0x83: {  	_ =	shalt  }
0x84: {  	_ =	shalt  }
0x85: {  	_ =	shalt  }
0x86: {  	_ =	shalt  }
0x87: {  	_ =	shalt  }
.Lfunc_end0:
.L_simem_size_0:
called_computation_lowered:
.L_overlay_start_0:
0x88: {  	s2 =	sld [smem:$0x3FD9]  }
0x89: {  	s3 =	sld [smem:$0x3FFE];
	_ =	sdelay $0x1  }
0x8a: {  	s1 =	srdreg.scid  }
0x8b: {  	s0 =	sand.u32 $0x1, s1  }
0x8c: {  	s17 =	sshll.u32 s0, $0xA;
	s2 =	sadd.s32 s3, s2  }
0x8d: {  	s2 =	sadd.s32 s2, s17  }
0x8e: {  	[smem:$0x3FBC] =	sst s2  }
0x8f: {  	_ = 	snop  }
0x90: {  	s2 =	sld [smem:$0x3FD0];
	(tm) =	ssettm $0x1  }
0x91: {  	s18 =	sld [smem:$0x3FFB];
	_ =	sdelay $0x3  }
0x92: {  	_ =	strace s18  }
0x93: {  	s3 =	sld [smem:$0x3FFC];
	_ =	sdelay $0x3  }
0x94: {  	_ =	strace s3  }
0x95: {  	s3 =	sld [smem:$0x3FFD];
	_ =	sdelay $0x3  }
0x96: {  	_ =	strace s3  }
0x97: {  	_ =	strace $0x8FFFFFFF  }
0x98: {  	s19 =	sld [smem:$0x3FDB];
	_ =	sdelay $0x1  }
0x99: {  	s4 =	simm.s32 $_scs_section_size  }
0x9a: {  	s5 =	simm.s32 $_size__tile_overlayer_lowered;
	s6 =	simm.s32 $_tile_overlayer_lowered  }
0x9b: {  	s22 =	simm.s32 $0x1BFF;
	s21 =	sshll.u32 s6, $0x1;
	s3 =	sadd.s32 s4, s19  }
0x9c: {  	s7 =	simm.s32 $0x0;
	s20 =	sshll.u32 s5, $0x1;
	s5 =	sadd.s32 s21, s3  }
0x9d: {  	[timem:s7], [sflag:s22] =	dma.local [hbm:s5], s20  }
0x9e: {  	_ =	swait.ge [sflag:s22], s20  }
0x9f: {  	s4 =	ssub.s32 $0x0, s20;
	[sflag:s22] =	ssyncset.done $0x0  }
0xa0: {  	[sflag:s22] =	ssyncadd.s32 s4;
	_ =	sdelay $0x1  }
0xa1: {  	s23 =	simm.s32 $0x1B8B  }
0xa2: {  	_ =	swait.ge [sflag:s23], $0x1  }
0xa3: {  	[sflag:s23] =	ssyncset.done $0x0  }
0xa4: {  	s25 =	simm.s32 $0x1B8E;
	s24 =	sld [smem:$0x3FFE];
	[sflag:s23] =	ssyncadd.s32 $0xFFFFFFFF  }
0xa5: {  	s26 =	simm.s32 $execute0_lowered;
	[smem:$0x3FD2] =	sst s25  }
0xa6: {  	s5 =	sshll.u32 s26, $0x1;
	_ =	strace $0x80000046;
	[dreg:$0x1] =	wrdreg $0xFFFFFFFF  }
0xa7: {  	s28 =	simm.s32 $_size_execute0_lowered;
	s3 =	sadd.s32 s3, s5;
	[dreg:$0x0] =	wrdreg $0x0  }
0xa8: {  	s5 =	sshll.u32 s28, $0x1;
	[dreg:$0x2] =	wrdreg s3  }
0xa9: {  	[dreg:$0x3] =	wrdreg s5  }
0xaa: {  	[dreg:$0x4] =	wrdreg $0xC0  }
0xab: {  	_ =	task [dreg:s7], $0x5FFFF  }
0xac: {  	[dreg:$0x1] =	wrdreg $0xFFFFFFFF  }
0xad: {  	[dreg:$0x0] =	wrdreg $0x60  }
0xae: {  	[dreg:$0x2] =	wrdreg s24  }
0xaf: {  	[dreg:$0x3] =	wrdreg s2  }
0xb0: {  	[dreg:$0x4] =	wrdreg $0xF8000  }
0xb1: {  	[dreg:$0x5] =	wrdreg $0x9  }
0xb2: {  	_ =	task.clear_ibuf [dreg:s7], $0x6FFFF;
	_ =	strace $0x90000046  }
0xb3: {  	s29 =	simm.s32 $0x9;
	_ =	strace $0x80000048  }
0xb4: {  	_ =	swait.ge [sflag:s29], $0x1  }
0xb5: {  	[sflag:s29] =	ssyncadd.s32 $0xFFFFFFFF  }
0xb6: {  	_ =	strace $0x90000048  }
0xb7: {  	_ =	sfence  }
0xb8: {  	s30 =	sld [smem:$0x0];
	_ =	sdelay $0x2  }
0xb9: {  	s31 =	sshll.u32 s1, $0xD;
	s1 =	sshrl.u32 s1, $0x2  }
0xba: {  	s3 =	sand.u32 $0x4000, s31;
	s1 =	sadd.s32 s1, s30  }
0xbb: {  	s0 =	sor.u32 s3, s0;
	s1 =	sshll.u32 s1, $0x11  }
0xbc: {  	s0 =	sor.u32 s1, s0  }
0xbd: {  	s0 =	sadd.s32 $0x8F2B, s0  }
0xbe: {  	[sflag:s0] =	ssyncadd.remote.s32 $0x1  }
0xbf: {  	_ =	sfence.sel $0xFFFF  }
0xc0: {  	[dreg:$0x0] =	wrdreg $0xFFFFFFFF;
	(pc) =	sbr.abs _section_cstart, $3  }
0xc1: {  	[dreg:$0x1] =	wrdreg $0xFFFFFFFF  }
0xc2: {  	_ =	task.clear_ibuf [dreg:s7], $0x2FFFF;
	_ =	strace $0x9FFFFFFF  }
0xc3: {  	(tm) =	ssettm $0x7FFFFFFF  }
tec
execute0_lowered:
.L_overlay_start_1:
0x0: {  	(tag) =	ssettag $0x1  }
0x1: {  	s0 =	rddreg [dreg:$0x0]  }
0x2: {  	s2 =	rddreg [dreg:$0x1]  }
0x3: {  	s1 =	rddreg [dreg:$0x2]  }
0x4: {  	s3 =	srdreg.scid;
	s12 =	stileid.u32  }
0x5: {  	s13 =	simm.s32 $0x9;
	s15 =	simm.s32 $0x80;
	s18 =	simm.s32 $0x1  }
0x6: {  	s19 =	simm.s32 $0x3;
	s20 =	simm.s32 $0x4800;
	s21 =	simm.s32 $0x8800  }
0x7: {  	s22 =	simm.s32 $0xA800;
	s23 =	simm.s32 $0x2;
	s28 =	simm.s32 $0x7  }
0x8: {  	s29 =	simm.s32 $0x6;
	s30 =	simm.s32 $0x8;
	s6 =	sand.u32 $0x1, s3  }
0x9: {  	s3 =	simm.s32 $0x0;
	s9 =	smul.u32 $0xC800, s12;
	s5 =	sadd.s32 $0x1EE00, s0  }
0xa: {  	s26 =	sshll.u32 s12, $0x6;
	s4 =	sshll.u32 s6, $0x4;
	[smem:$0x7FF] =	sst s3  }
0xb: {  	s8 =	ssub.s32 $0x2, s6;
	s6 =	smul.u32 $0xC8000, s6;
	s4 =	sor.u32 s12, s4  }
0xc: {  	_ =	strace $0x80000047;
	s10 =	sshrl.u32 s8, $0x1;
	s25 =	sadd.s32 s9, s1  }
0xd: {  	s7 =	smul.u32 $0x280, s4;
	s4 =	sadd.s32 $0xAE00, s0;
	s24 =	ssub.s32 s8, s10  }
0xe: {  	s6 =	sadd.s32 s9, s6;
	s12 =	sshrl.u32 s25, $0x3;
	s25 =	simm.s32 $0xD000  }
0xf: {  	s6 =	sshrl.u32 s6, $0x3;
	s11 =	sadd.s32 s7, s0;
	s0 =	sadd.s32 $0x32E00, s0  }
0x10: {  	s7 =	sor.u32 $0x1C09, s26;
	s10 =	sadd.s32 s2, s6;
	s26 =	simm.s32 $0x5  }
0x11: {  	[dreg:$0x4] =	wrdreg s0;
	s31 =	sadd.s32 $0x5E00, s11;
	s9 =	sadd.s32 $0xE00, s11  }
0x12: {  	v0 =	vimm.f32 $1.000000000e+00;
	s11 =	smax.u32 s24, $0x1;
	s24 =	simm.s32 $0x4;
	[dreg:$0x5] =	wrdreg s31  }
.LBB2_1:
0x13: {  	s0 =	rddreg [dreg:$0x4]  }
0x14: {  	[spmem:s12], [sflag:s7] =	dma.local [hbm:s0], $0x1900  }
0x15: {  	_ =	swait.ge [sflag:s13], $0x1900  }
0x16: {  	[sflag:s13] =	ssyncset.done $0x0  }
0x17: {  	s2 =	simm.s32 $0x40;
	s0 =	simm.s32 $0x240;
	[sflag:s13] =	ssyncadd.s32 $0xFFFFE700  }
.LBB2_2:
0x18: {  	p0 =	sne.s32 s0, $0x9FC0;
	[tilespmem:s2+$0xA800] =	vst v0;
	s6 =	smov.u32 s0;
	s0 =	sadd.s32 $0x140, s0  }
.Ltmp0:
0x19: {  	[tilespmem:s2+$0xD000] =	vst v0;
	(pc) =	sbr.rel @p0 .LBB2_2-.Ltmp0, $2  }
0x1a: {  	_ =	sdelay $0x2  }
0x1b: {  	s2 =	sshra.s32 s6, $0x2  }
0x1c: {  	[tilespmem:s2+$0xA800] =	vst v0  }
0x1d: {  	[tilespmem:s2+$0xD000] =	vst v0;
	s31 =	simm.s32 $0x0;
	s0 =	rddreg [dreg:$0x5]  }
0x1e: {  	[tilespmem:s31], [sflag:$0x9] =	stream.linear.gather [hbm4b:s0+s31], $0x1400, $0x38;
	[tilespmem:$0x1C000] =	vst v63  }
0x1f: {  	_ =	swait.ge [sflag:s13], $0x1400  }
0x20: {  	[sflag:s13] =	ssyncset.done $0x0  }
0x21: {  	s14 =	simm.s32 $0x1400;
	[sflag:s13] =	ssyncadd.s32 $0xFFFFEC00  }
0x22: {  	[tilespmem:s14], [sflag:$0x9] =	stream.linear.gather [hbm4b:s9+s31], $0x1400, $0x38;
	[tilespmem:$0x1C000] =	vst v63  }
0x23: {  	_ =	swait.ge [sflag:s13], $0x1400  }
0x24: {  	[sflag:s13] =	ssyncset.done $0x0  }
0x25: {  	[sflag:s13] =	ssyncadd.s32 $0xFFFFEC00  }
0x26: {  	s16 =	simm.s32 $0x2800;
	[bflag:$0x0] =	sbarrier.arrive $0xFFFF  }
0x27: {  	[tilespmem:s16], [sflag:$0x1] =	stream.indirect.gather [hbm4b:s4+s15], $0x40, s31, s15, $0xb8;
	[tilespmem:$0x1C000] =	vst v63  }
0x28: {  	s17 =	simm.s32 $0x6800  }
0x29: {  	[tilespmem:s17], [sflag:$0x3] =	stream.indirect.gather [hbm4b:s5+s15], $0x40, s14, s15, $0xb8;
	[tilespmem:$0x1C000] =	vst v63  }
.LBB2_4:
0x2a: {  	_ =	swait.ge [sflag:s18], $0x2000  }
0x2b: {  	[sflag:s18] =	ssyncset.done $0x0  }
0x2c: {  	[sflag:s18] =	ssyncadd.s32 $0xFFFFE000  }
0x2d: {  	_ =	swait.ge [sflag:s19], $0x2000  }
0x2e: {  	s16 =	sshll.u32 s31, $0x8;
	[sflag:s19] =	ssyncset.done $0x0  }
0x2f: {  	p0 =	seq.s32 s31, $0x0;
	s0 =	sor.u32 $0x80, s16;
	[sflag:s19] =	ssyncadd.s32 $0xFFFFE000  }
0x30: {  	[tilespmem:s20], [sflag:$0x2] =	stream.indirect.gather [hbm4b:s4+s15], $0x40, s0, s15, $0xb8;
	[tilespmem:$0x1C000] =	vst v63  }
0x31: {  	s2 =	sadd.s32 $0x1480, s16;
	s6 =	simm.s32 @!p0 $0x5  }
0x32: {  	[tilespmem:s21], [sflag:$0x4] =	stream.indirect.gather [hbm4b:s5+s15], $0x40, s2, s15, $0xb8;
	[tilespmem:$0x1C000] =	vst v63  }
0x33: {  	_ =	swait.ge @!p0 [sflag:s6], $0x2800  }
0x34: {  	[sflag:s6] =	ssyncset.done @!p0 $0x0  }
0x35: {  	[sflag:s6] =	ssyncadd.s32 @!p0 $0xFFFFD800;
	s6 =	simm.s32 @!p0 $0x7  }
0x36: {  	_ =	swait.ge @!p0 [sflag:s6], $0x2800  }
0x37: {  	[sflag:s6] =	ssyncset.done @!p0 $0x0  }
0x38: {  	s14 =	simm.s32 $0x0;
	[sflag:s6] =	ssyncadd.s32 @!p0 $0xFFFFD800  }
0x39: {  	v1 =	vld [tilespmem:s14+$0x2800]  }
0x3a: {  	v2 =	vld [tilespmem:s14+$0x6800];
	_ =	sdelay $0x4  }
0x3b: {  	v1 =	vadd.f32 v2, v1;
	_ =	sdelay $0x1  }
0x3c: {  	s17 =	simm.s32 $0xA820;
	v1 =	vmax.f32 v1, $0.0e+00  }
0x3d: {  	[tilespmem:s17+$0xFFFFFFE0] =	vst v1  }
0x3e: {  	v1 =	vld [tilespmem:s14+$0x2810]  }
0x3f: {  	v2 =	vld [tilespmem:s14+$0x6810];
	_ =	sdelay $0x4  }
0x40: {  	v1 =	vadd.f32 v2, v1;
	_ =	sdelay $0x1  }
0x41: {  	v1 =	vmax.f32 v1, $0.0e+00  }
0x42: {  	[tilespmem:s17+$0xFFFFFFF0] =	vst v1  }
0x43: {  	v1 =	vld [tilespmem:s14+$0x2820]  }
0x44: {  	v2 =	vld [tilespmem:s14+$0x6820];
	_ =	sdelay $0x4  }
0x45: {  	v1 =	vadd.f32 v2, v1;
	_ =	sdelay $0x1  }
0x46: {  	v1 =	vmax.f32 v1, $0.0e+00  }
0x47: {  	[tilespmem:s17+$0x0] =	vst v1  }
0x48: {  	v1 =	vld [tilespmem:s14+$0x2830]  }
0x49: {  	s8 =	simm.s32 $0x100;
	s6 =	simm.s32 $0xA820;
	v2 =	vld [tilespmem:s14+$0x6830]  }
.LBB2_5:
0x4a: {  	_ =	sdelay $0x1  }
0x4b: {  	p0 =	sne.s32 s8, $0x7F00  }
0x4c: {  	s17 =	sadd.s32 $0x50, s17;
	s14 =	smov.u32 s8;
	s8 =	sadd.s32 $0x100, s8  }
0x4d: {  	v1 =	vadd.f32 v2, v1;
	_ =	sdelay $0x1  }
0x4e: {  	v1 =	vmax.f32 v1, $0.0e+00  }
0x4f: {  	s14 =	sshra.s32 s14, $0x2;
	[tilespmem:s6+$0x10] =	vst v1;
	s6 =	smov.u32 s17  }
0x50: {  	v1 =	vld [tilespmem:s14+$0x2800]  }
0x51: {  	v2 =	vld [tilespmem:s14+$0x6800];
	_ =	sdelay $0x4  }
0x52: {  	v1 =	vadd.f32 v2, v1;
	_ =	sdelay $0x1  }
0x53: {  	v1 =	vmax.f32 v1, $0.0e+00  }
0x54: {  	[tilespmem:s17+$0xFFFFFFE0] =	vst v1  }
0x55: {  	v1 =	vld [tilespmem:s14+$0x2810]  }
0x56: {  	v2 =	vld [tilespmem:s14+$0x6810];
	_ =	sdelay $0x4  }
0x57: {  	v1 =	vadd.f32 v2, v1;
	_ =	sdelay $0x1  }
0x58: {  	v1 =	vmax.f32 v1, $0.0e+00  }
0x59: {  	[tilespmem:s17+$0xFFFFFFF0] =	vst v1  }
0x5a: {  	v1 =	vld [tilespmem:s14+$0x2820]  }
0x5b: {  	v2 =	vld [tilespmem:s14+$0x6820];
	_ =	sdelay $0x4  }
0x5c: {  	v1 =	vadd.f32 v2, v1  }
.Ltmp1:
0x5d: {  	(pc) =	sbr.rel @p0 .LBB2_5-.Ltmp1, $4  }
0x5e: {  	v1 =	vmax.f32 v1, $0.0e+00  }
0x5f: {  	[tilespmem:s17+$0x0] =	vst v1  }
0x60: {  	v1 =	vld [tilespmem:s14+$0x2830]  }
0x61: {  	v2 =	vld [tilespmem:s14+$0x6830]  }
0x62: {  	_ =	sdelay $0x3  }
0x63: {  	v1 =	vadd.f32 v2, v1;
	_ =	sdelay $0x1  }
0x64: {  	v1 =	vmax.f32 v1, $0.0e+00  }
0x65: {  	[tilespmem:s6+$0x10] =	vst v1  }
0x66: {  	[spmem:s1] =	stream.indirect.scatter.add.f32 [tilespmem:s22], [sflag:$0x5], $0x50, s16, s15, $0xb8;
	[tilespmem:$0x1C000] =	vst v63  }
0x67: {  	s14 =	sadd.s32 $0x1400, s16  }
0x68: {  	[spmem:s1] =	stream.indirect.scatter.add.f32 [tilespmem:s22], [sflag:$0x7], $0x50, s14, s15, $0xb8;
	[tilespmem:$0x1C000] =	vst v63  }
0x69: {  	_ =	swait.ge [sflag:s23], $0x2000  }
0x6a: {  	[sflag:s23] =	ssyncset.done $0x0  }
0x6b: {  	[sflag:s23] =	ssyncadd.s32 $0xFFFFE000  }
0x6c: {  	p0 =	seq.s32 s31, $0x13;
	_ =	swait.ge [sflag:s24], $0x2000  }
0x6d: {  	s8 =	simm.s32 @!p0 $0x80;
	[sflag:s24] =	ssyncset.done $0x0  }
0x6e: {  	s6 =	sadd.s32 @!p0 $0x100, s16;
	s14 =	simm.s32 @!p0 $0x2800;
	[sflag:s24] =	ssyncadd.s32 $0xFFFFE000  }
0x6f: {  	[tilespmem:s14], [sflag:$0x1] =	stream.indirect.gather @!p0 [hbm4b:s4+s8], $0x40, s6, s8, $0xb8;
	[tilespmem:$0x1C000] =	vst v63  }
0x70: {  	p1 =	seq.s32 @!p0 s31, $0x0;
	s6 =	sadd.s32 @!p0 $0x1500, s16;
	s14 =	simm.s32 @!p0 $0x6800  }
0x71: {  	[tilespmem:s14], [sflag:$0x3] =	stream.indirect.gather @!p0 [hbm4b:s5+s8], $0x40, s6, s8, $0xb8;
	[tilespmem:$0x1C000] =	vst v63  }
0x72: {  	p0 =	por p0, !p1  }
0x73: {  	_ =	swait.ge @p0 [sflag:s29], $0x2800  }
0x74: {  	[sflag:s29] =	ssyncset.done @p0 $0x0  }
0x75: {  	[sflag:s29] =	ssyncadd.s32 @p0 $0xFFFFD800  }
0x76: {  	_ =	swait.ge @p0 [sflag:s30], $0x2800  }
0x77: {  	[sflag:s30] =	ssyncset.done @p0 $0x0  }
0x78: {  	s17 =	simm.s32 $0x0;
	[sflag:s30] =	ssyncadd.s32 @p0 $0xFFFFD800  }
0x79: {  	v1 =	vld [tilespmem:s17+$0x4800]  }
0x7a: {  	v2 =	vld [tilespmem:s17+$0x8800];
	_ =	sdelay $0x4  }
0x7b: {  	v1 =	vadd.f32 v2, v1;
	_ =	sdelay $0x1  }
0x7c: {  	s16 =	simm.s32 $0xD020;
	v1 =	vmax.f32 v1, $0.0e+00  }
0x7d: {  	[tilespmem:s16+$0xFFFFFFE0] =	vst v1  }
0x7e: {  	v1 =	vld [tilespmem:s17+$0x4810]  }
0x7f: {  	v2 =	vld [tilespmem:s17+$0x8810];
	_ =	sdelay $0x4  }
0x80: {  	v1 =	vadd.f32 v2, v1;
	_ =	sdelay $0x1  }
0x81: {  	v1 =	vmax.f32 v1, $0.0e+00  }
0x82: {  	[tilespmem:s16+$0xFFFFFFF0] =	vst v1  }
0x83: {  	v1 =	vld [tilespmem:s17+$0x4820]  }
0x84: {  	v2 =	vld [tilespmem:s17+$0x8820];
	_ =	sdelay $0x4  }
0x85: {  	v1 =	vadd.f32 v2, v1;
	_ =	sdelay $0x1  }
0x86: {  	v1 =	vmax.f32 v1, $0.0e+00  }
0x87: {  	[tilespmem:s16+$0x0] =	vst v1  }
0x88: {  	v1 =	vld [tilespmem:s17+$0x4830]  }
0x89: {  	s8 =	simm.s32 $0x100;
	s6 =	simm.s32 $0xD020;
	v2 =	vld [tilespmem:s17+$0x8830]  }
.LBB2_7:
0x8a: {  	_ =	sdelay $0x1  }
0x8b: {  	p0 =	sne.s32 s8, $0x7F00  }
0x8c: {  	s16 =	sadd.s32 $0x50, s16;
	s14 =	smov.u32 s8;
	s8 =	sadd.s32 $0x100, s8  }
0x8d: {  	v1 =	vadd.f32 v2, v1;
	_ =	sdelay $0x1  }
0x8e: {  	v1 =	vmax.f32 v1, $0.0e+00  }
0x8f: {  	s14 =	sshra.s32 s14, $0x2;
	[tilespmem:s6+$0x10] =	vst v1;
	s6 =	smov.u32 s16  }
0x90: {  	v1 =	vld [tilespmem:s14+$0x4800]  }
0x91: {  	v2 =	vld [tilespmem:s14+$0x8800];
	_ =	sdelay $0x4  }
0x92: {  	v1 =	vadd.f32 v2, v1;
	_ =	sdelay $0x1  }
0x93: {  	v1 =	vmax.f32 v1, $0.0e+00  }
0x94: {  	[tilespmem:s16+$0xFFFFFFE0] =	vst v1  }
0x95: {  	v1 =	vld [tilespmem:s14+$0x4810]  }
0x96: {  	v2 =	vld [tilespmem:s14+$0x8810];
	_ =	sdelay $0x4  }
0x97: {  	v1 =	vadd.f32 v2, v1;
	_ =	sdelay $0x1  }
0x98: {  	v1 =	vmax.f32 v1, $0.0e+00  }
0x99: {  	[tilespmem:s16+$0xFFFFFFF0] =	vst v1  }
0x9a: {  	v1 =	vld [tilespmem:s14+$0x4820]  }
0x9b: {  	v2 =	vld [tilespmem:s14+$0x8820];
	_ =	sdelay $0x4  }
0x9c: {  	v1 =	vadd.f32 v2, v1  }
.Ltmp2:
0x9d: {  	(pc) =	sbr.rel @p0 .LBB2_7-.Ltmp2, $4  }
0x9e: {  	v1 =	vmax.f32 v1, $0.0e+00  }
0x9f: {  	[tilespmem:s16+$0x0] =	vst v1  }
0xa0: {  	v1 =	vld [tilespmem:s14+$0x4830]  }
0xa1: {  	v2 =	vld [tilespmem:s14+$0x8830]  }
0xa2: {  	_ =	sdelay $0x3  }
0xa3: {  	s31 =	sadd.s32 $0x1, s31;
	v1 =	vadd.f32 v2, v1  }
0xa4: {  	p0 =	sne.s32 s31, $0x14  }
.Ltmp3:
0xa5: {  	v1 =	vmax.f32 v1, $0.0e+00;
	(pc) =	sbr.rel @p0 .LBB2_4-.Ltmp3, $4  }
0xa6: {  	[tilespmem:s6+$0x10] =	vst v1  }
0xa7: {  	[spmem:s1] =	stream.indirect.scatter.add.f32 [tilespmem:s25], [sflag:$0x6], $0x50, s0, s15, $0xb8;
	[tilespmem:$0x1C000] =	vst v63  }
0xa8: {  	_ = 	snop  }
0xa9: {  	[spmem:s1] =	stream.indirect.scatter.add.f32 [tilespmem:s25], [sflag:$0x8], $0x50, s2, s15, $0xb8;
	[tilespmem:$0x1C000] =	vst v63  }
0xaa: {  	_ =	swait.ge [sflag:s26], $0x2800  }
0xab: {  	[sflag:s26] =	ssyncset.done $0x0  }
0xac: {  	[sflag:s26] =	ssyncadd.s32 $0xFFFFD800  }
0xad: {  	_ =	swait.ge [sflag:s28], $0x2800  }
0xae: {  	[sflag:s28] =	ssyncset.done $0x0  }
0xaf: {  	[sflag:s28] =	ssyncadd.s32 $0xFFFFD800  }
0xb0: {  	_ =	swait.ge [sflag:s29], $0x2800  }
0xb1: {  	[sflag:s29] =	ssyncset.done $0x0  }
0xb2: {  	[sflag:s29] =	ssyncadd.s32 $0xFFFFD800  }
0xb3: {  	_ =	swait.ge [sflag:s30], $0x2800  }
0xb4: {  	s3 =	sadd.s32 $0x1, s3;
	[sflag:s30] =	ssyncset.done $0x0  }
0xb5: {  	p0 =	sne.s32 s3, s11;
	[sflag:s30] =	ssyncadd.s32 $0xFFFFD800  }
.Ltmp4:
0xb6: {  	[bflag:$0x0] =	sbarrier.arrive $0xFFFF;
	(pc) =	sbr.rel @p0 .LBB2_1-.Ltmp4, $4  }
0xb7: {  	[hbm:s10], [sflag:s7] =	dma.local [spmem:s12], $0x1900  }
0xb8: {  	_ =	swait.ge [sflag:s13], $0x1900  }
0xb9: {  	[sflag:s13] =	ssyncset.done $0x0  }
0xba: {  	[sflag:s13] =	ssyncadd.s32 $0xFFFFE700  }
0xbb: {  	_ =	sfence.sel $0x180000  }
0xbc: {  	[bflag:$0x0] =	sbarrier.arrive $0xFFFF  }
0xbd: {  	_ =	strace $0x90000047  }
0xbe: {  	s0 =	stileid.u32;
	[bflag:$0x2] =	sbarrier.arrive $0xFFFF  }
0xbf: {  	p0 =	sne.s32 s0, $0x0;
	s0 =	rddreg [dreg:$0x3]  }
0xc0: {  	s0 =	sadd.s32 @!p0 $0x100000, s0  }
0xc1: {  	[sflag:s0] =	ssyncadd.tile.s32 @!p0 $0x1;
	_ =	shalt  }
.Lfunc_end2:
_tile_overlayer_lowered:
.L_overlay_start_2:
0xc2: {  	(tag) =	ssettag $0x2  }
0xc3: {  	s0 =	rddreg [dreg:$0x0];
	s2 =	stileid.u32  }
0xc4: {  	s1 =	rddreg [dreg:$0x1];
	p0 =	sne.s32 s2, $0x0  }
0xc5: {  	s3 =	rddreg [dreg:$0x2];
	[bflag:$0x3] =	sbarrier.arrive $0xFFFF;
	s2 =	simm.s32 @!p0 $0x1C09  }
0xc6: {  	[timem:s3], [sflag:s2] =	dma.local @!p0 [hbm:s0], s1  }
0xc7: {  	s0 =	simm.s32 @!p0 $0x9  }
0xc8: {  	_ =	swait.ge @!p0 [sflag:s0], s1  }
0xc9: {  	s1 =	ssub.s32 @!p0 $0x0, s1;
	[sflag:s0] =	ssyncset.done @!p0 $0x0  }
0xca: {  	[sflag:s0] =	ssyncadd.s32 @!p0 s1  }
0xcb: {  	[bflag:$0x3] =	sbarrier.arrive $0xFFFF  }
0xcc: {  	_ =	shalt  }

</sc_bundles>
